<compile_context>
chip_gen: v7x
topology: tpu7x:2x2x1
jax: 0.10.2.dev20260603
libtpu: 0.0.44.dev20260713+nightly
codegen_flags: <defaults>
</compile_context>

<pallas_src>
import functools

import jax
import jax.numpy as jnp
from jax import lax
from jax.experimental import pallas as pl
from jax.experimental.pallas import tpu as pltpu
from jax.experimental.pallas import tpu_sc as plsc

_N = 10000
_E = 320000
_ND = 128
_ED = 16
_H = 128

_NC = 2
_NS = 16
_NW = _NC * _NS
_LANES = 16

_GCH = 128
_NCHUNK = _E // _GCH
_NP = 10240


def _gelu(x):
    c = 0.7978845608028654
    return 0.5 * x * (1.0 + jnp.tanh(c * (x + 0.044715 * x * x * x)))


def _proj_body(x_ref, wa_ref, wb_ref, ps_ref, pr_ref):
    x = x_ref[...]
    ps_ref[...] = jnp.dot(x, wa_ref[...], preferred_element_type=jnp.float32)
    pr_ref[...] = jnp.dot(x, wb_ref[...], preferred_element_type=jnp.float32)


def _proj_tables(nodes, wa, wb):
    n, nd = nodes.shape
    h = wa.shape[1]
    bn = 1000
    return pl.pallas_call(
        _proj_body,
        grid=(n // bn,),
        in_specs=[
            pl.BlockSpec((bn, nd), lambda i: (i, 0)),
            pl.BlockSpec((nd, h), lambda i: (0, 0)),
            pl.BlockSpec((nd, h), lambda i: (0, 0)),
        ],
        out_specs=[
            pl.BlockSpec((bn, h), lambda i: (i, 0)),
            pl.BlockSpec((bn, h), lambda i: (i, 0)),
        ],
        out_shape=[
            jax.ShapeDtypeStruct((n, h), jnp.float32),
            jax.ShapeDtypeStruct((n, h), jnp.float32),
        ],
    )(nodes, wa, wb)


def _gather_body(ps_hbm, pr_hbm, snd_hbm, rcv_hbm, out_hbm,
                 sidx0, ridx0, sidx1, ridx1,
                 bufs0, bufr0, bufs1, bufr1, obuf0, obuf1,
                 gsem0, gsem1, wsem0, wsem1):
    cid = lax.axis_index("c")
    sid = lax.axis_index("s")
    wid = sid * _NC + cid
    nfull = _NCHUNK // _NW
    extra = _NCHUNK - nfull * _NW
    nch = nfull + jnp.where(wid < extra, 1, 0)
    nmax = nfull + (1 if extra else 0)
    ngrp = (nmax + 1) // 2

    slots = ((sidx0, ridx0, bufs0, bufr0, obuf0, gsem0, wsem0),
             (sidx1, ridx1, bufs1, bufr1, obuf1, gsem1, wsem1))

    def load_idx(i, si, ri):
        ch = wid + i * _NW
        pltpu.sync_copy(snd_hbm.at[ch], si)
        pltpu.sync_copy(rcv_hbm.at[ch], ri)

    def start_gather(si, ri, bs, br, sem):
        pltpu.async_copy(ps_hbm.at[si], bs, sem)
        pltpu.async_copy(pr_hbm.at[ri], br, sem)

    def drain_gather(si, ri, bs, br, sem):
        pltpu.make_async_copy(ps_hbm.at[si], bs, sem).wait()
        pltpu.make_async_copy(pr_hbm.at[ri], br, sem).wait()

    def process(i, p):
        si, ri, bs, br, ob, gsem, wsem = slots[p]
        drain_gather(si, ri, bs, br, gsem)

        @pl.when(i >= 2)
        def _():
            pltpu.make_async_copy(ob, out_hbm.at[pl.ds(0, _GCH)], wsem).wait()

        def add_row(r, c2):
            for c in range(_H // _LANES):
                sl = pl.ds(c * _LANES, _LANES)
                ob[r, sl] = bs[r, sl] + br[r, sl]
            return c2

        lax.fori_loop(0, _GCH, add_row, 0)
        ch = wid + i * _NW
        pltpu.async_copy(ob, out_hbm.at[pl.ds(ch * _GCH, _GCH)], wsem)

    load_idx(0, sidx0, ridx0)
    start_gather(sidx0, ridx0, bufs0, bufr0, gsem0)

    def group(g, carry):
        a = 2 * g
        b = 2 * g + 1
        a2 = 2 * g + 2

        @pl.when(b < nch)
        def _():
            load_idx(b, sidx1, ridx1)
            start_gather(sidx1, ridx1, bufs1, bufr1, gsem1)

        @pl.when(a < nch)
        def _():
            process(a, 0)

        @pl.when(a2 < nch)
        def _():
            load_idx(a2, sidx0, ridx0)
            start_gather(sidx0, ridx0, bufs0, bufr0, gsem0)

        @pl.when(b < nch)
        def _():
            process(b, 1)

        return carry

    lax.fori_loop(0, ngrp, group, 0)
    pltpu.make_async_copy(obuf0, out_hbm.at[pl.ds(0, _GCH)], wsem0).wait()
    pltpu.make_async_copy(obuf1, out_hbm.at[pl.ds(0, _GCH)], wsem1).wait()


def _gather_sum(ps, pr, snd2d, rcv2d):
    mesh = plsc.VectorSubcoreMesh(core_axis_name="c", subcore_axis_name="s")
    fn = functools.partial(
        pl.kernel,
        mesh=mesh,
        out_type=jax.ShapeDtypeStruct((_E, _H), jnp.float32),
        scratch_types=[
            pltpu.VMEM((_GCH,), jnp.int32),
            pltpu.VMEM((_GCH,), jnp.int32),
            pltpu.VMEM((_GCH,), jnp.int32),
            pltpu.VMEM((_GCH,), jnp.int32),
            pltpu.VMEM((_GCH, _H), jnp.float32),
            pltpu.VMEM((_GCH, _H), jnp.float32),
            pltpu.VMEM((_GCH, _H), jnp.float32),
            pltpu.VMEM((_GCH, _H), jnp.float32),
            pltpu.VMEM((_GCH, _H), jnp.float32),
            pltpu.VMEM((_GCH, _H), jnp.float32),
            pltpu.SemaphoreType.DMA,
            pltpu.SemaphoreType.DMA,
            pltpu.SemaphoreType.DMA,
            pltpu.SemaphoreType.DMA,
        ],
    )(_gather_body)
    return fn(ps, pr, snd2d, rcv2d)


def _edge_body(g_ref, e_ref, w1c_ref, b1_ref, w2_ref, b2_ref, nep_ref, oe_ref):
    e = e_ref[...]
    x = g_ref[...] + jnp.dot(e, w1c_ref[...], preferred_element_type=jnp.float32)
    x = x + b1_ref[...]
    h = _gelu(x)
    ne = jnp.dot(h, w2_ref[...], preferred_element_type=jnp.float32) + b2_ref[...]
    nep_ref[...] = ne
    oe_ref[...] = e + ne


def _edge_mlp(g, edges, w1c, b1, w2, b2):
    e, ed = edges.shape
    h = g.shape[1]
    be = 2560
    pack = h // ed
    return pl.pallas_call(
        _edge_body,
        grid=(e // be,),
        in_specs=[
            pl.BlockSpec((be, h), lambda i: (i, 0)),
            pl.BlockSpec((be, ed), lambda i: (i, 0)),
            pl.BlockSpec((ed, h), lambda i: (0, 0)),
            pl.BlockSpec((1, h), lambda i: (0, 0)),
            pl.BlockSpec((h, ed), lambda i: (0, 0)),
            pl.BlockSpec((1, ed), lambda i: (0, 0)),
        ],
        out_specs=[
            pl.BlockSpec((be, ed), lambda i: (i, 0)),
            pl.BlockSpec((be, ed), lambda i: (i, 0)),
        ],
        out_shape=[
            jax.ShapeDtypeStruct((e, ed), jnp.float32),
            jax.ShapeDtypeStruct((e, ed), jnp.float32),
        ],
    )(g, edges, w1c, b1.reshape(1, h), w2, b2.reshape(1, ed))


_NSLOT = 4
_RPACK = _ND // _ED


def _scatter_body(ne_hbm, rcv_hbm, zeros_hbm, out_hbm,
                  ridx0, ridx1, ridx2, ridx3,
                  vals0, vals1, vals2, vals3,
                  st0, st1, st2, st3, sc0, sc1, sc2, sc3, agg_sh):
    cid = lax.axis_index("c")
    sid = lax.axis_index("s")
    wid = sid * _NC + cid
    nfull = _NCHUNK // _NW
    extra = _NCHUNK - nfull * _NW
    nch = nfull + jnp.where(wid < extra, 1, 0)
    nmax = nfull + (1 if extra else 0)
    ngrp = (nmax + _NSLOT - 1) // _NSLOT

    slots = ((ridx0, vals0, st0, sc0), (ridx1, vals1, st1, sc1),
             (ridx2, vals2, st2, sc2), (ridx3, vals3, st3, sc3))

    @pl.when(sid == 0)
    def _zero():
        pltpu.sync_copy(zeros_hbm, agg_sh)

    plsc.subcore_barrier()

    def stage(i, p):
        ri, va, st, _ = slots[p]
        ch = wid + i * _NW
        pltpu.async_copy(rcv_hbm.at[ch], ri, st)
        pltpu.async_copy(ne_hbm.at[pl.ds(ch * _GCH, _GCH)], va, st)

    def drain_stage(p):
        ri, va, st, _ = slots[p]
        pltpu.make_async_copy(rcv_hbm.at[0], ri, st).wait()
        pltpu.make_async_copy(ne_hbm.at[pl.ds(0, _GCH)], va, st).wait()

    def drain_scatter(p):
        ri, va, _, sc = slots[p]
        pltpu.make_async_copy(va, agg_sh.at[ri], sc).wait()

    for p in range(_NSLOT):
        @pl.when(p < nch)
        def _(p=p):
            stage(p, p)

    def group(g, carry):
        for p in range(_NSLOT):
            i = _NSLOT * g + p

            @pl.when(i < nch)
            def _(i=i, p=p):
                ri, va, _, sc = slots[p]
                drain_stage(p)
                pltpu.async_copy(va, agg_sh.at[ri], sc, add=True)

        for p in range(_NSLOT):
            j = _NSLOT * (g + 1) + p

            @pl.when(j < nch)
            def _(j=j, p=p):
                drain_scatter(p)
                stage(j, p)

        return carry

    lax.fori_loop(0, ngrp, group, 0)
    for p in range(_NSLOT):
        drain_scatter(p)
    plsc.subcore_barrier()

    @pl.when(sid == 0)
    def _writeback():
        pltpu.sync_copy(agg_sh, out_hbm.at[cid])


def _scatter_add(nep, rcv2d):
    mesh = plsc.VectorSubcoreMesh(core_axis_name="c", subcore_axis_name="s")
    zeros = jnp.zeros((_NP, _ED), jnp.float32)
    fn = functools.partial(
        pl.kernel,
        mesh=mesh,
        out_type=jax.ShapeDtypeStruct((_NC, _NP, _ED), jnp.float32),
        compiler_params=pltpu.CompilerParams(use_tc_tiling_on_sc=False),
        scratch_types=[
            pltpu.VMEM((_GCH,), jnp.int32),
            pltpu.VMEM((_GCH,), jnp.int32),
            pltpu.VMEM((_GCH,), jnp.int32),
            pltpu.VMEM((_GCH,), jnp.int32),
            pltpu.VMEM((_GCH, _ED), jnp.float32),
            pltpu.VMEM((_GCH, _ED), jnp.float32),
            pltpu.VMEM((_GCH, _ED), jnp.float32),
            pltpu.VMEM((_GCH, _ED), jnp.float32),
            pltpu.SemaphoreType.DMA,
            pltpu.SemaphoreType.DMA,
            pltpu.SemaphoreType.DMA,
            pltpu.SemaphoreType.DMA,
            pltpu.SemaphoreType.DMA,
            pltpu.SemaphoreType.DMA,
            pltpu.SemaphoreType.DMA,
            pltpu.SemaphoreType.DMA,
            pltpu.VMEM_SHARED((_NP, _ED), jnp.float32),
        ],
    )(_scatter_body)
    return fn(nep, rcv2d, zeros)


def _node_body(x_ref, agg_ref, w1a_ref, w1b_ref, b1_ref, w2_ref, b2_ref, out_ref):
    x = x_ref[...]
    a = agg_ref[0] + agg_ref[1]
    t = jnp.dot(x, w1a_ref[...], preferred_element_type=jnp.float32)
    t = t + jnp.dot(a, w1b_ref[...], preferred_element_type=jnp.float32)
    t = t + b1_ref[...]
    h = _gelu(t)
    out_ref[...] = x + jnp.dot(h, w2_ref[...], preferred_element_type=jnp.float32) + b2_ref[...]


def _node_mlp(nodes, agg2, w1a, w1b, b1, w2, b2):
    n, nd = nodes.shape
    ed = agg2.shape[2]
    h = w1a.shape[1]
    bn = 1000
    return pl.pallas_call(
        _node_body,
        grid=(n // bn,),
        in_specs=[
            pl.BlockSpec((bn, nd), lambda i: (i, 0)),
            pl.BlockSpec((_NC, bn, ed), lambda i: (0, i, 0)),
            pl.BlockSpec((nd, h), lambda i: (0, 0)),
            pl.BlockSpec((ed, h), lambda i: (0, 0)),
            pl.BlockSpec((1, h), lambda i: (0, 0)),
            pl.BlockSpec((h, nd), lambda i: (0, 0)),
            pl.BlockSpec((1, nd), lambda i: (0, 0)),
        ],
        out_specs=[pl.BlockSpec((bn, nd), lambda i: (i, 0))],
        out_shape=[jax.ShapeDtypeStruct((n, nd), jnp.float32)],
    )(nodes, agg2, w1a, w1b, b1.reshape(1, h), w2, b2.reshape(1, nd))[0]


def kernel(nodes, edges, receivers, senders,
           edge_W1, edge_b1, edge_W2, edge_b2,
           node_W1, node_b1, node_W2, node_b2):
    n, nd = nodes.shape
    e, ed = edges.shape
    assert (n, e, nd, ed) == (_N, _E, _ND, _ED)

    ew1a = edge_W1[:nd]
    ew1b = edge_W1[nd:2 * nd]
    ew1c = edge_W1[2 * nd:]
    nw1a = node_W1[:nd]
    nw1b = node_W1[nd:]

    snd2d = senders.reshape(_NCHUNK, _GCH)
    rcv2d = receivers.reshape(_NCHUNK, _GCH)

    ps, pr = _proj_tables(nodes, ew1a, ew1b)
    g = _gather_sum(ps, pr, snd2d, rcv2d)
    nep, out_edges = _edge_mlp(g, edges, ew1c, edge_b1, edge_W2, edge_b2)
    aggp = _scatter_add(nep, rcv2d)
    agg2 = aggp[:, :_N]
    out_nodes = _node_mlp(nodes, agg2, nw1a, nw1b, node_b1, node_W2, node_b2)
    return out_nodes, out_edges

# --- scband reference (transcript-rebuilt; emitter-appended) ---
"""Pipeline reference for scband-probe-message-passing-layer-16320875725329 (READ-ONLY COPY).

The authoritative reference and input builder live on the scoring server;
editing this copy changes nothing except your own understanding.
"""

import jax, jax.numpy as jnp
import numpy as np

N = 10000
E = 320000
ND = 128
ED = 16
H = 128


def _init_linear(key, fan_in, fan_out):
    kw, kb = jax.random.split(key)
    lim = 1.0 / np.sqrt(fan_in)
    W = jax.random.uniform(kw, (fan_in, fan_out), minval=-lim, maxval=lim, dtype=jnp.float32)
    b = jax.random.uniform(kb, (fan_out,), minval=-lim, maxval=lim, dtype=jnp.float32)
    return W, b


def setup_inputs(seed: int = 0) -> dict:
    key = jax.random.key(seed)
    ks = jax.random.split(key, 8)
    nodes = jax.random.normal(ks[0], (N, ND), dtype=jnp.float32)
    edges = jax.random.normal(ks[1], (E, ED), dtype=jnp.float32)
    receivers = jax.random.randint(ks[2], (E,), 0, N, dtype=jnp.int32)
    senders = jax.random.randint(ks[3], (E,), 0, N, dtype=jnp.int32)
    # edge MLP: (2*ND + ED) -> H -> ED
    eW1, eb1 = _init_linear(ks[4], 2 * ND + ED, H)
    eW2, eb2 = _init_linear(ks[5], H, ED)
    # node MLP: (ND + ED) -> H -> ND
    nW1, nb1 = _init_linear(ks[6], ND + ED, H)
    nW2, nb2 = _init_linear(ks[7], H, ND)
    return {
        "nodes": nodes, "edges": edges,
        "receivers": receivers, "senders": senders,
        "edge_W1": eW1, "edge_b1": eb1, "edge_W2": eW2, "edge_b2": eb2,
        "node_W1": nW1, "node_b1": nb1, "node_W2": nW2, "node_b2": nb2,
    }


def reference(nodes, edges, receivers, senders,
              edge_W1, edge_b1, edge_W2, edge_b2,
              node_W1, node_b1, node_W2, node_b2):
    # gather endpoint features
    sender_features = jnp.take(nodes, senders, axis=0)
    receiver_features = jnp.take(nodes, receivers, axis=0)
    edge_inputs = jnp.concatenate([sender_features, receiver_features, edges], axis=-1)
    # edge MLP: Linear -> GELU -> Linear
    h = jax.nn.gelu(edge_inputs @ edge_W1 + edge_b1)
    new_edges = h @ edge_W2 + edge_b2
    # scatter-add aggregation onto receiver nodes
    aggregated = jnp.zeros((nodes.shape[0], new_edges.shape[-1]), dtype=nodes.dtype).at[receivers].add(new_edges)
    node_inputs = jnp.concatenate([nodes, aggregated], axis=-1)
    hn = jax.nn.gelu(node_inputs @ node_W1 + node_b1)
    new_nodes = hn @ node_W2 + node_b2
    return nodes + new_nodes, edges + new_edges

if __name__ == "__main__":
    import jax
    _d = setup_inputs()
    print(jax.jit(kernel)(*tuple(_d.values())))

</pallas_src>

<mosaic_0001>
#map = affine_map<(d0, d1) -> (0, 0)>
#map1 = affine_map<(d0, d1) -> (0, 0, 0)>
module attributes {stable_mosaic.version = 14 : i64} {
  func.func @_scatter_body(%arg0: i32, %arg1: i32, %arg2: memref<320000x16xf32, #tpu.memory_space<hbm>>, %arg3: memref<2500x128xi32, #tpu.memory_space<hbm>>, %arg4: memref<10240x16xf32, #tpu.memory_space<hbm>>, %arg5: memref<2x10240x16xf32, #tpu.memory_space<hbm>>, %arg6: memref<128xi32, #tpu.memory_space<vmem>>, %arg7: memref<128xi32, #tpu.memory_space<vmem>>, %arg8: memref<128xi32, #tpu.memory_space<vmem>>, %arg9: memref<128xi32, #tpu.memory_space<vmem>>, %arg10: memref<128x16xf32, #tpu.memory_space<vmem>>, %arg11: memref<128x16xf32, #tpu.memory_space<vmem>>, %arg12: memref<128x16xf32, #tpu.memory_space<vmem>>, %arg13: memref<128x16xf32, #tpu.memory_space<vmem>>, %arg14: memref<!tpu.dma_semaphore, #tpu.memory_space<semaphore_mem>>, %arg15: memref<!tpu.dma_semaphore, #tpu.memory_space<semaphore_mem>>, %arg16: memref<!tpu.dma_semaphore, #tpu.memory_space<semaphore_mem>>, %arg17: memref<!tpu.dma_semaphore, #tpu.memory_space<semaphore_mem>>, %arg18: memref<!tpu.dma_semaphore, #tpu.memory_space<semaphore_mem>>, %arg19: memref<!tpu.dma_semaphore, #tpu.memory_space<semaphore_mem>>, %arg20: memref<!tpu.dma_semaphore, #tpu.memory_space<semaphore_mem>>, %arg21: memref<!tpu.dma_semaphore, #tpu.memory_space<semaphore_mem>>, %arg22: memref<10240x16xf32, #tpu.memory_space<vmem_shared>>) attributes {dimension_semantics = [#tpu.dimension_semantics<core_parallel>, #tpu.dimension_semantics<subcore_parallel>], iteration_bounds = array<i64: 2, 16>, scalar_prefetch = 0 : i64, scratch_operands = 17 : i64, tpu.core_type = #tpu.core_type<sc_vector_subcore>, window_params = [{transform_indices = #map}, {transform_indices = #map}, {transform_indices = #map}, {transform_indices = #map1}]} {
    %mul3A = arith.constant 2 : i32
    %mul3A_0 = arith.muli %arg1, %mul3A : i32
    %add3A = arith.addi %mul3A_0, %arg0 : i32
    %lt3A = arith.constant 4 : i32
    %lt3A_1 = arith.cmpi slt, %add3A, %lt3A : i32
    %jit3A = arith.constant 1 : i32
    %jit3A_2 = arith.constant 0 : i32
    %select_n3A = arith.select %lt3A_1, %jit3A, %jit3A_2 : i32
    %add3A_3 = arith.constant 78 : i32
    %add3A_4 = arith.addi %add3A_3, %select_n3A : i32
    %eq3A = arith.constant 0 : i32
    %eq3A_5 = arith.cmpi eq, %arg1, %eq3A : i32
    %convert_element_type3A = arith.extui %eq3A_5 : i1 to i32
    %cond3A = arith.constant 0 : i32
    %cond3A_6 = arith.cmpi ne, %convert_element_type3A, %cond3A : i32
    scf.if %cond3A_6 {
      "tpu.region"() ({
        %run_scoped3A = tpu.sem_alloc : memref<!tpu.dma_semaphore, #tpu.memory_space<semaphore_mem>>
        tpu.enqueue_dma source(%arg4 : memref<10240x16xf32, #tpu.memory_space<hbm>>) target(%arg22 : memref<10240x16xf32, #tpu.memory_space<vmem_shared>>) target_semaphore(%run_scoped3A : memref<!tpu.dma_semaphore, #tpu.memory_space<semaphore_mem>>)
        tpu.wait_dma2 semaphore(%run_scoped3A : memref<!tpu.dma_semaphore, #tpu.memory_space<semaphore_mem>>) src(%arg4 : memref<10240x16xf32, #tpu.memory_space<hbm>>) dst(%arg22 : memref<10240x16xf32, #tpu.memory_space<vmem_shared>>)
        tpu.yield
      }) : () -> ()
    } else {
    }
    %barrier3A = arith.constant 0 : index
    tpu.barrier barrier_id(%barrier3A)
    %gt3A = arith.constant 0 : i32
    %gt3A_7 = arith.cmpi sgt, %add3A_4, %gt3A : i32
    %convert_element_type3A_8 = arith.extui %gt3A_7 : i1 to i32
    %cond3A_9 = arith.constant 0 : i32
    %cond3A_10 = arith.cmpi ne, %convert_element_type3A_8, %cond3A_9 : i32
    scf.if %cond3A_10 {
      %add3A_48 = arith.constant 0 : i32
      %add3A_49 = arith.addi %add3A, %add3A_48 : i32
      %dma_start3A = arith.constant 0 : i32
      %dma_start3A_50 = tpu.memref_slice %arg3[%add3A_49, %dma_start3A] : memref<2500x128xi32, #tpu.memory_space<hbm>> -> memref<1x128xi32, #tpu.memory_space<hbm>>
      %dma_start3A_51 = tpu.memref_squeeze %dma_start3A_50 : memref<1x128xi32, #tpu.memory_space<hbm>> -> memref<128xi32, #tpu.memory_space<hbm>>
      %dma_start3A_52 = arith.constant 0 : i32
      %dma_start3A_53 = tpu.memref_slice %arg3[%add3A_49, %dma_start3A_52] : memref<2500x128xi32, #tpu.memory_space<hbm>> -> memref<1x128xi32, #tpu.memory_space<hbm>>
      %dma_start3A_54 = tpu.memref_squeeze %dma_start3A_53 : memref<1x128xi32, #tpu.memory_space<hbm>> -> memref<128xi32, #tpu.memory_space<hbm>>
      tpu.enqueue_dma source(%dma_start3A_54 : memref<128xi32, #tpu.memory_space<hbm>>) target(%arg6 : memref<128xi32, #tpu.memory_space<vmem>>) target_semaphore(%arg14 : memref<!tpu.dma_semaphore, #tpu.memory_space<semaphore_mem>>)
      %mul3A_55 = arith.constant 128 : i32
      %mul3A_56 = arith.muli %add3A_49, %mul3A_55 : i32
      %dma_start3A_57 = arith.constant 0 : i32
      %dma_start3A_58 = tpu.memref_slice %arg2[%mul3A_56, %dma_start3A_57] : memref<320000x16xf32, #tpu.memory_space<hbm>> -> memref<128x16xf32, #tpu.memory_space<hbm>>
      %dma_start3A_59 = arith.constant 0 : i32
      %dma_start3A_60 = tpu.memref_slice %arg2[%mul3A_56, %dma_start3A_59] : memref<320000x16xf32, #tpu.memory_space<hbm>> -> memref<128x16xf32, #tpu.memory_space<hbm>>
      tpu.enqueue_dma source(%dma_start3A_60 : memref<128x16xf32, #tpu.memory_space<hbm>>) target(%arg10 : memref<128x16xf32, #tpu.memory_space<vmem>>) target_semaphore(%arg14 : memref<!tpu.dma_semaphore, #tpu.memory_space<semaphore_mem>>)
    } else {
    }
    %gt3A_11 = arith.constant 1 : i32
    %gt3A_12 = arith.cmpi sgt, %add3A_4, %gt3A_11 : i32
    %convert_element_type3A_13 = arith.extui %gt3A_12 : i1 to i32
    %cond3A_14 = arith.constant 0 : i32
    %cond3A_15 = arith.cmpi ne, %convert_element_type3A_13, %cond3A_14 : i32
    scf.if %cond3A_15 {
      %add3A_48 = arith.constant 32 : i32
      %add3A_49 = arith.addi %add3A, %add3A_48 : i32
      %dma_start3A = arith.constant 0 : i32
      %dma_start3A_50 = tpu.memref_slice %arg3[%add3A_49, %dma_start3A] : memref<2500x128xi32, #tpu.memory_space<hbm>> -> memref<1x128xi32, #tpu.memory_space<hbm>>
      %dma_start3A_51 = tpu.memref_squeeze %dma_start3A_50 : memref<1x128xi32, #tpu.memory_space<hbm>> -> memref<128xi32, #tpu.memory_space<hbm>>
      %dma_start3A_52 = arith.constant 0 : i32
      %dma_start3A_53 = tpu.memref_slice %arg3[%add3A_49, %dma_start3A_52] : memref<2500x128xi32, #tpu.memory_space<hbm>> -> memref<1x128xi32, #tpu.memory_space<hbm>>
      %dma_start3A_54 = tpu.memref_squeeze %dma_start3A_53 : memref<1x128xi32, #tpu.memory_space<hbm>> -> memref<128xi32, #tpu.memory_space<hbm>>
      tpu.enqueue_dma source(%dma_start3A_54 : memref<128xi32, #tpu.memory_space<hbm>>) target(%arg7 : memref<128xi32, #tpu.memory_space<vmem>>) target_semaphore(%arg15 : memref<!tpu.dma_semaphore, #tpu.memory_space<semaphore_mem>>)
      %mul3A_55 = arith.constant 128 : i32
      %mul3A_56 = arith.muli %add3A_49, %mul3A_55 : i32
      %dma_start3A_57 = arith.constant 0 : i32
      %dma_start3A_58 = tpu.memref_slice %arg2[%mul3A_56, %dma_start3A_57] : memref<320000x16xf32, #tpu.memory_space<hbm>> -> memref<128x16xf32, #tpu.memory_space<hbm>>
      %dma_start3A_59 = arith.constant 0 : i32
      %dma_start3A_60 = tpu.memref_slice %arg2[%mul3A_56, %dma_start3A_59] : memref<320000x16xf32, #tpu.memory_space<hbm>> -> memref<128x16xf32, #tpu.memory_space<hbm>>
      tpu.enqueue_dma source(%dma_start3A_60 : memref<128x16xf32, #tpu.memory_space<hbm>>) target(%arg11 : memref<128x16xf32, #tpu.memory_space<vmem>>) target_semaphore(%arg15 : memref<!tpu.dma_semaphore, #tpu.memory_space<semaphore_mem>>)
    } else {
    }
    %gt3A_16 = arith.constant 2 : i32
    %gt3A_17 = arith.cmpi sgt, %add3A_4, %gt3A_16 : i32
    %convert_element_type3A_18 = arith.extui %gt3A_17 : i1 to i32
    %cond3A_19 = arith.constant 0 : i32
    %cond3A_20 = arith.cmpi ne, %convert_element_type3A_18, %cond3A_19 : i32
    scf.if %cond3A_20 {
      %add3A_48 = arith.constant 64 : i32
      %add3A_49 = arith.addi %add3A, %add3A_48 : i32
      %dma_start3A = arith.constant 0 : i32
      %dma_start3A_50 = tpu.memref_slice %arg3[%add3A_49, %dma_start3A] : memref<2500x128xi32, #tpu.memory_space<hbm>> -> memref<1x128xi32, #tpu.memory_space<hbm>>
      %dma_start3A_51 = tpu.memref_squeeze %dma_start3A_50 : memref<1x128xi32, #tpu.memory_space<hbm>> -> memref<128xi32, #tpu.memory_space<hbm>>
      %dma_start3A_52 = arith.constant 0 : i32
      %dma_start3A_53 = tpu.memref_slice %arg3[%add3A_49, %dma_start3A_52] : memref<2500x128xi32, #tpu.memory_space<hbm>> -> memref<1x128xi32, #tpu.memory_space<hbm>>
      %dma_start3A_54 = tpu.memref_squeeze %dma_start3A_53 : memref<1x128xi32, #tpu.memory_space<hbm>> -> memref<128xi32, #tpu.memory_space<hbm>>
      tpu.enqueue_dma source(%dma_start3A_54 : memref<128xi32, #tpu.memory_space<hbm>>) target(%arg8 : memref<128xi32, #tpu.memory_space<vmem>>) target_semaphore(%arg16 : memref<!tpu.dma_semaphore, #tpu.memory_space<semaphore_mem>>)
      %mul3A_55 = arith.constant 128 : i32
      %mul3A_56 = arith.muli %add3A_49, %mul3A_55 : i32
      %dma_start3A_57 = arith.constant 0 : i32
      %dma_start3A_58 = tpu.memref_slice %arg2[%mul3A_56, %dma_start3A_57] : memref<320000x16xf32, #tpu.memory_space<hbm>> -> memref<128x16xf32, #tpu.memory_space<hbm>>
      %dma_start3A_59 = arith.constant 0 : i32
      %dma_start3A_60 = tpu.memref_slice %arg2[%mul3A_56, %dma_start3A_59] : memref<320000x16xf32, #tpu.memory_space<hbm>> -> memref<128x16xf32, #tpu.memory_space<hbm>>
      tpu.enqueue_dma source(%dma_start3A_60 : memref<128x16xf32, #tpu.memory_space<hbm>>) target(%arg12 : memref<128x16xf32, #tpu.memory_space<vmem>>) target_semaphore(%arg16 : memref<!tpu.dma_semaphore, #tpu.memory_space<semaphore_mem>>)
    } else {
    }
    %gt3A_21 = arith.constant 3 : i32
    %gt3A_22 = arith.cmpi sgt, %add3A_4, %gt3A_21 : i32
    %convert_element_type3A_23 = arith.extui %gt3A_22 : i1 to i32
    %cond3A_24 = arith.constant 0 : i32
    %cond3A_25 = arith.cmpi ne, %convert_element_type3A_23, %cond3A_24 : i32
    scf.if %cond3A_25 {
      %add3A_48 = arith.constant 96 : i32
      %add3A_49 = arith.addi %add3A, %add3A_48 : i32
      %dma_start3A = arith.constant 0 : i32
      %dma_start3A_50 = tpu.memref_slice %arg3[%add3A_49, %dma_start3A] : memref<2500x128xi32, #tpu.memory_space<hbm>> -> memref<1x128xi32, #tpu.memory_space<hbm>>
      %dma_start3A_51 = tpu.memref_squeeze %dma_start3A_50 : memref<1x128xi32, #tpu.memory_space<hbm>> -> memref<128xi32, #tpu.memory_space<hbm>>
      %dma_start3A_52 = arith.constant 0 : i32
      %dma_start3A_53 = tpu.memref_slice %arg3[%add3A_49, %dma_start3A_52] : memref<2500x128xi32, #tpu.memory_space<hbm>> -> memref<1x128xi32, #tpu.memory_space<hbm>>
      %dma_start3A_54 = tpu.memref_squeeze %dma_start3A_53 : memref<1x128xi32, #tpu.memory_space<hbm>> -> memref<128xi32, #tpu.memory_space<hbm>>
      tpu.enqueue_dma source(%dma_start3A_54 : memref<128xi32, #tpu.memory_space<hbm>>) target(%arg9 : memref<128xi32, #tpu.memory_space<vmem>>) target_semaphore(%arg17 : memref<!tpu.dma_semaphore, #tpu.memory_space<semaphore_mem>>)
      %mul3A_55 = arith.constant 128 : i32
      %mul3A_56 = arith.muli %add3A_49, %mul3A_55 : i32
      %dma_start3A_57 = arith.constant 0 : i32
      %dma_start3A_58 = tpu.memref_slice %arg2[%mul3A_56, %dma_start3A_57] : memref<320000x16xf32, #tpu.memory_space<hbm>> -> memref<128x16xf32, #tpu.memory_space<hbm>>
      %dma_start3A_59 = arith.constant 0 : i32
      %dma_start3A_60 = tpu.memref_slice %arg2[%mul3A_56, %dma_start3A_59] : memref<320000x16xf32, #tpu.memory_space<hbm>> -> memref<128x16xf32, #tpu.memory_space<hbm>>
      tpu.enqueue_dma source(%dma_start3A_60 : memref<128x16xf32, #tpu.memory_space<hbm>>) target(%arg13 : memref<128x16xf32, #tpu.memory_space<vmem>>) target_semaphore(%arg17 : memref<!tpu.dma_semaphore, #tpu.memory_space<semaphore_mem>>)
    } else {
    }
    %scan3A = arith.constant 0 : i32
    %scan3A_26 = arith.constant 0 : i32
    %scan3A_27 = arith.constant 20 : i32
    %scan3A_28 = arith.addi %scan3A_26, %scan3A_27 : i32
    %scan3A_29 = arith.constant 1 : i32
    scf.for %scan3A_48 = %scan3A_26 to %scan3A_28 step %scan3A_29  : i32 {
      %mul3A_49 = arith.constant 4 : i32
      %mul3A_50 = arith.muli %mul3A_49, %scan3A_48 : i32
      %add3A_51 = arith.constant 0 : i32
      %add3A_52 = arith.addi %mul3A_50, %add3A_51 : i32
      %lt3A_53 = arith.cmpi slt, %add3A_52, %add3A_4 : i32
      %convert_element_type3A_54 = arith.extui %lt3A_53 : i1 to i32
      %cond3A_55 = arith.constant 0 : i32
      %cond3A_56 = arith.cmpi ne, %convert_element_type3A_54, %cond3A_55 : i32
      scf.if %cond3A_56 {
        %dma_wait3A_121 = arith.constant 0 : i32
        %dma_wait3A_122 = arith.constant 0 : i32
        %dma_wait3A_123 = tpu.memref_slice %arg3[%dma_wait3A_121, %dma_wait3A_122] : memref<2500x128xi32, #tpu.memory_space<hbm>> -> memref<1x128xi32, #tpu.memory_space<hbm>>
        %dma_wait3A_124 = tpu.memref_squeeze %dma_wait3A_123 : memref<1x128xi32, #tpu.memory_space<hbm>> -> memref<128xi32, #tpu.memory_space<hbm>>
        %dma_wait3A_125 = arith.constant 0 : i32
        %dma_wait3A_126 = tpu.memref_slice %arg3[%dma_wait3A_121, %dma_wait3A_125] : memref<2500x128xi32, #tpu.memory_space<hbm>> -> memref<1x128xi32, #tpu.memory_space<hbm>>
        %dma_wait3A_127 = tpu.memref_squeeze %dma_wait3A_126 : memref<1x128xi32, #tpu.memory_space<hbm>> -> memref<128xi32, #tpu.memory_space<hbm>>
        tpu.wait_dma2 semaphore(%arg14 : memref<!tpu.dma_semaphore, #tpu.memory_space<semaphore_mem>>) src(%dma_wait3A_127 : memref<128xi32, #tpu.memory_space<hbm>>) dst(%arg6 : memref<128xi32, #tpu.memory_space<vmem>>)
        %dma_wait3A_128 = arith.constant 0 : i32
        %dma_wait3A_129 = arith.constant 0 : i32
        %dma_wait3A_130 = tpu.memref_slice %arg2[%dma_wait3A_128, %dma_wait3A_129] : memref<320000x16xf32, #tpu.memory_space<hbm>> -> memref<128x16xf32, #tpu.memory_space<hbm>>
        %dma_wait3A_131 = arith.constant 0 : i32
        %dma_wait3A_132 = arith.constant 0 : i32
        %dma_wait3A_133 = tpu.memref_slice %arg2[%dma_wait3A_131, %dma_wait3A_132] : memref<320000x16xf32, #tpu.memory_space<hbm>> -> memref<128x16xf32, #tpu.memory_space<hbm>>
        tpu.wait_dma2 semaphore(%arg14 : memref<!tpu.dma_semaphore, #tpu.memory_space<semaphore_mem>>) src(%dma_wait3A_133 : memref<128x16xf32, #tpu.memory_space<hbm>>) dst(%arg10 : memref<128x16xf32, #tpu.memory_space<vmem>>)
        %dma_start3A = arith.constant 0 : i32
        %dma_start3A_134 = arith.constant 0 : i32
        %dma_start3A_135 = tpu.memref_slice %arg22[%dma_start3A, %dma_start3A_134] : memref<10240x16xf32, #tpu.memory_space<vmem_shared>> -> memref<10240x16xf32, #tpu.memory_space<vmem_shared>>
        tpu.enqueue_indirect_dma source(%arg10 : memref<128x16xf32, #tpu.memory_space<vmem>>) target(%dma_start3A_135 : memref<10240x16xf32, #tpu.memory_space<vmem_shared>>) offsets(%arg6 : memref<128xi32, #tpu.memory_space<vmem>>) semaphore(%arg18 : memref<!tpu.dma_semaphore, #tpu.memory_space<semaphore_mem>>) {add = true}
      } else {
      }
      %mul3A_57 = arith.constant 4 : i32
      %mul3A_58 = arith.muli %mul3A_57, %scan3A_48 : i32
      %add3A_59 = arith.constant 1 : i32
      %add3A_60 = arith.addi %mul3A_58, %add3A_59 : i32
      %lt3A_61 = arith.cmpi slt, %add3A_60, %add3A_4 : i32
      %convert_element_type3A_62 = arith.extui %lt3A_61 : i1 to i32
      %cond3A_63 = arith.constant 0 : i32
      %cond3A_64 = arith.cmpi ne, %convert_element_type3A_62, %cond3A_63 : i32
      scf.if %cond3A_64 {
        %dma_wait3A_121 = arith.constant 0 : i32
        %dma_wait3A_122 = arith.constant 0 : i32
        %dma_wait3A_123 = tpu.memref_slice %arg3[%dma_wait3A_121, %dma_wait3A_122] : memref<2500x128xi32, #tpu.memory_space<hbm>> -> memref<1x128xi32, #tpu.memory_space<hbm>>
        %dma_wait3A_124 = tpu.memref_squeeze %dma_wait3A_123 : memref<1x128xi32, #tpu.memory_space<hbm>> -> memref<128xi32, #tpu.memory_space<hbm>>
        %dma_wait3A_125 = arith.constant 0 : i32
        %dma_wait3A_126 = tpu.memref_slice %arg3[%dma_wait3A_121, %dma_wait3A_125] : memref<2500x128xi32, #tpu.memory_space<hbm>> -> memref<1x128xi32, #tpu.memory_space<hbm>>
        %dma_wait3A_127 = tpu.memref_squeeze %dma_wait3A_126 : memref<1x128xi32, #tpu.memory_space<hbm>> -> memref<128xi32, #tpu.memory_space<hbm>>
        tpu.wait_dma2 semaphore(%arg15 : memref<!tpu.dma_semaphore, #tpu.memory_space<semaphore_mem>>) src(%dma_wait3A_127 : memref<128xi32, #tpu.memory_space<hbm>>) dst(%arg7 : memref<128xi32, #tpu.memory_space<vmem>>)
        %dma_wait3A_128 = arith.constant 0 : i32
        %dma_wait3A_129 = arith.constant 0 : i32
        %dma_wait3A_130 = tpu.memref_slice %arg2[%dma_wait3A_128, %dma_wait3A_129] : memref<320000x16xf32, #tpu.memory_space<hbm>> -> memref<128x16xf32, #tpu.memory_space<hbm>>
        %dma_wait3A_131 = arith.constant 0 : i32
        %dma_wait3A_132 = arith.constant 0 : i32
        %dma_wait3A_133 = tpu.memref_slice %arg2[%dma_wait3A_131, %dma_wait3A_132] : memref<320000x16xf32, #tpu.memory_space<hbm>> -> memref<128x16xf32, #tpu.memory_space<hbm>>
        tpu.wait_dma2 semaphore(%arg15 : memref<!tpu.dma_semaphore, #tpu.memory_space<semaphore_mem>>) src(%dma_wait3A_133 : memref<128x16xf32, #tpu.memory_space<hbm>>) dst(%arg11 : memref<128x16xf32, #tpu.memory_space<vmem>>)
        %dma_start3A = arith.constant 0 : i32
        %dma_start3A_134 = arith.constant 0 : i32
        %dma_start3A_135 = tpu.memref_slice %arg22[%dma_start3A, %dma_start3A_134] : memref<10240x16xf32, #tpu.memory_space<vmem_shared>> -> memref<10240x16xf32, #tpu.memory_space<vmem_shared>>
        tpu.enqueue_indirect_dma source(%arg11 : memref<128x16xf32, #tpu.memory_space<vmem>>) target(%dma_start3A_135 : memref<10240x16xf32, #tpu.memory_space<vmem_shared>>) offsets(%arg7 : memref<128xi32, #tpu.memory_space<vmem>>) semaphore(%arg19 : memref<!tpu.dma_semaphore, #tpu.memory_space<semaphore_mem>>) {add = true}
      } else {
      }
      %mul3A_65 = arith.constant 4 : i32
      %mul3A_66 = arith.muli %mul3A_65, %scan3A_48 : i32
      %add3A_67 = arith.constant 2 : i32
      %add3A_68 = arith.addi %mul3A_66, %add3A_67 : i32
      %lt3A_69 = arith.cmpi slt, %add3A_68, %add3A_4 : i32
      %convert_element_type3A_70 = arith.extui %lt3A_69 : i1 to i32
      %cond3A_71 = arith.constant 0 : i32
      %cond3A_72 = arith.cmpi ne, %convert_element_type3A_70, %cond3A_71 : i32
      scf.if %cond3A_72 {
        %dma_wait3A_121 = arith.constant 0 : i32
        %dma_wait3A_122 = arith.constant 0 : i32
        %dma_wait3A_123 = tpu.memref_slice %arg3[%dma_wait3A_121, %dma_wait3A_122] : memref<2500x128xi32, #tpu.memory_space<hbm>> -> memref<1x128xi32, #tpu.memory_space<hbm>>
        %dma_wait3A_124 = tpu.memref_squeeze %dma_wait3A_123 : memref<1x128xi32, #tpu.memory_space<hbm>> -> memref<128xi32, #tpu.memory_space<hbm>>
        %dma_wait3A_125 = arith.constant 0 : i32
        %dma_wait3A_126 = tpu.memref_slice %arg3[%dma_wait3A_121, %dma_wait3A_125] : memref<2500x128xi32, #tpu.memory_space<hbm>> -> memref<1x128xi32, #tpu.memory_space<hbm>>
        %dma_wait3A_127 = tpu.memref_squeeze %dma_wait3A_126 : memref<1x128xi32, #tpu.memory_space<hbm>> -> memref<128xi32, #tpu.memory_space<hbm>>
        tpu.wait_dma2 semaphore(%arg16 : memref<!tpu.dma_semaphore, #tpu.memory_space<semaphore_mem>>) src(%dma_wait3A_127 : memref<128xi32, #tpu.memory_space<hbm>>) dst(%arg8 : memref<128xi32, #tpu.memory_space<vmem>>)
        %dma_wait3A_128 = arith.constant 0 : i32
        %dma_wait3A_129 = arith.constant 0 : i32
        %dma_wait3A_130 = tpu.memref_slice %arg2[%dma_wait3A_128, %dma_wait3A_129] : memref<320000x16xf32, #tpu.memory_space<hbm>> -> memref<128x16xf32, #tpu.memory_space<hbm>>
        %dma_wait3A_131 = arith.constant 0 : i32
        %dma_wait3A_132 = arith.constant 0 : i32
        %dma_wait3A_133 = tpu.memref_slice %arg2[%dma_wait3A_131, %dma_wait3A_132] : memref<320000x16xf32, #tpu.memory_space<hbm>> -> memref<128x16xf32, #tpu.memory_space<hbm>>
        tpu.wait_dma2 semaphore(%arg16 : memref<!tpu.dma_semaphore, #tpu.memory_space<semaphore_mem>>) src(%dma_wait3A_133 : memref<128x16xf32, #tpu.memory_space<hbm>>) dst(%arg12 : memref<128x16xf32, #tpu.memory_space<vmem>>)
        %dma_start3A = arith.constant 0 : i32
        %dma_start3A_134 = arith.constant 0 : i32
        %dma_start3A_135 = tpu.memref_slice %arg22[%dma_start3A, %dma_start3A_134] : memref<10240x16xf32, #tpu.memory_space<vmem_shared>> -> memref<10240x16xf32, #tpu.memory_space<vmem_shared>>
        tpu.enqueue_indirect_dma source(%arg12 : memref<128x16xf32, #tpu.memory_space<vmem>>) target(%dma_start3A_135 : memref<10240x16xf32, #tpu.memory_space<vmem_shared>>) offsets(%arg8 : memref<128xi32, #tpu.memory_space<vmem>>) semaphore(%arg20 : memref<!tpu.dma_semaphore, #tpu.memory_space<semaphore_mem>>) {add = true}
      } else {
      }
      %mul3A_73 = arith.constant 4 : i32
      %mul3A_74 = arith.muli %mul3A_73, %scan3A_48 : i32
      %add3A_75 = arith.constant 3 : i32
      %add3A_76 = arith.addi %mul3A_74, %add3A_75 : i32
      %lt3A_77 = arith.cmpi slt, %add3A_76, %add3A_4 : i32
      %convert_element_type3A_78 = arith.extui %lt3A_77 : i1 to i32
      %cond3A_79 = arith.constant 0 : i32
      %cond3A_80 = arith.cmpi ne, %convert_element_type3A_78, %cond3A_79 : i32
      scf.if %cond3A_80 {
        %dma_wait3A_121 = arith.constant 0 : i32
        %dma_wait3A_122 = arith.constant 0 : i32
        %dma_wait3A_123 = tpu.memref_slice %arg3[%dma_wait3A_121, %dma_wait3A_122] : memref<2500x128xi32, #tpu.memory_space<hbm>> -> memref<1x128xi32, #tpu.memory_space<hbm>>
        %dma_wait3A_124 = tpu.memref_squeeze %dma_wait3A_123 : memref<1x128xi32, #tpu.memory_space<hbm>> -> memref<128xi32, #tpu.memory_space<hbm>>
        %dma_wait3A_125 = arith.constant 0 : i32
        %dma_wait3A_126 = tpu.memref_slice %arg3[%dma_wait3A_121, %dma_wait3A_125] : memref<2500x128xi32, #tpu.memory_space<hbm>> -> memref<1x128xi32, #tpu.memory_space<hbm>>
        %dma_wait3A_127 = tpu.memref_squeeze %dma_wait3A_126 : memref<1x128xi32, #tpu.memory_space<hbm>> -> memref<128xi32, #tpu.memory_space<hbm>>
        tpu.wait_dma2 semaphore(%arg17 : memref<!tpu.dma_semaphore, #tpu.memory_space<semaphore_mem>>) src(%dma_wait3A_127 : memref<128xi32, #tpu.memory_space<hbm>>) dst(%arg9 : memref<128xi32, #tpu.memory_space<vmem>>)
        %dma_wait3A_128 = arith.constant 0 : i32
        %dma_wait3A_129 = arith.constant 0 : i32
        %dma_wait3A_130 = tpu.memref_slice %arg2[%dma_wait3A_128, %dma_wait3A_129] : memref<320000x16xf32, #tpu.memory_space<hbm>> -> memref<128x16xf32, #tpu.memory_space<hbm>>
        %dma_wait3A_131 = arith.constant 0 : i32
        %dma_wait3A_132 = arith.constant 0 : i32
        %dma_wait3A_133 = tpu.memref_slice %arg2[%dma_wait3A_131, %dma_wait3A_132] : memref<320000x16xf32, #tpu.memory_space<hbm>> -> memref<128x16xf32, #tpu.memory_space<hbm>>
        tpu.wait_dma2 semaphore(%arg17 : memref<!tpu.dma_semaphore, #tpu.memory_space<semaphore_mem>>) src(%dma_wait3A_133 : memref<128x16xf32, #tpu.memory_space<hbm>>) dst(%arg13 : memref<128x16xf32, #tpu.memory_space<vmem>>)
        %dma_start3A = arith.constant 0 : i32
        %dma_start3A_134 = arith.constant 0 : i32
        %dma_start3A_135 = tpu.memref_slice %arg22[%dma_start3A, %dma_start3A_134] : memref<10240x16xf32, #tpu.memory_space<vmem_shared>> -> memref<10240x16xf32, #tpu.memory_space<vmem_shared>>
        tpu.enqueue_indirect_dma source(%arg13 : memref<128x16xf32, #tpu.memory_space<vmem>>) target(%dma_start3A_135 : memref<10240x16xf32, #tpu.memory_space<vmem_shared>>) offsets(%arg9 : memref<128xi32, #tpu.memory_space<vmem>>) semaphore(%arg21 : memref<!tpu.dma_semaphore, #tpu.memory_space<semaphore_mem>>) {add = true}
      } else {
      }
      %add3A_81 = arith.constant 1 : i32
      %add3A_82 = arith.addi %scan3A_48, %add3A_81 : i32
      %mul3A_83 = arith.constant 4 : i32
      %mul3A_84 = arith.muli %mul3A_83, %add3A_82 : i32
      %add3A_85 = arith.constant 0 : i32
      %add3A_86 = arith.addi %mul3A_84, %add3A_85 : i32
      %lt3A_87 = arith.cmpi slt, %add3A_86, %add3A_4 : i32
      %convert_element_type3A_88 = arith.extui %lt3A_87 : i1 to i32
      %cond3A_89 = arith.constant 0 : i32
      %cond3A_90 = arith.cmpi ne, %convert_element_type3A_88, %cond3A_89 : i32
      scf.if %cond3A_90 {
        %dma_wait3A_121 = arith.constant 0 : i32
        %dma_wait3A_122 = arith.constant 0 : i32
        %dma_wait3A_123 = tpu.memref_slice %arg22[%dma_wait3A_121, %dma_wait3A_122] : memref<10240x16xf32, #tpu.memory_space<vmem_shared>> -> memref<10240x16xf32, #tpu.memory_space<vmem_shared>>
        tpu.wait_indirect_dma semaphore(%arg18 : memref<!tpu.dma_semaphore, #tpu.memory_space<semaphore_mem>>) src(%arg10 : memref<128x16xf32, #tpu.memory_space<vmem>>) dst(%dma_wait3A_123 : memref<10240x16xf32, #tpu.memory_space<vmem_shared>>)
        %mul3A_124 = arith.constant 32 : i32
        %mul3A_125 = arith.muli %add3A_86, %mul3A_124 : i32
        %add3A_126 = arith.addi %add3A, %mul3A_125 : i32
        %dma_start3A = arith.constant 0 : i32
        %dma_start3A_127 = tpu.memref_slice %arg3[%add3A_126, %dma_start3A] : memref<2500x128xi32, #tpu.memory_space<hbm>> -> memref<1x128xi32, #tpu.memory_space<hbm>>
        %dma_start3A_128 = tpu.memref_squeeze %dma_start3A_127 : memref<1x128xi32, #tpu.memory_space<hbm>> -> memref<128xi32, #tpu.memory_space<hbm>>
        %dma_start3A_129 = arith.constant 0 : i32
        %dma_start3A_130 = tpu.memref_slice %arg3[%add3A_126, %dma_start3A_129] : memref<2500x128xi32, #tpu.memory_space<hbm>> -> memref<1x128xi32, #tpu.memory_space<hbm>>
        %dma_start3A_131 = tpu.memref_squeeze %dma_start3A_130 : memref<1x128xi32, #tpu.memory_space<hbm>> -> memref<128xi32, #tpu.memory_space<hbm>>
        tpu.enqueue_dma source(%dma_start3A_131 : memref<128xi32, #tpu.memory_space<hbm>>) target(%arg6 : memref<128xi32, #tpu.memory_space<vmem>>) target_semaphore(%arg14 : memref<!tpu.dma_semaphore, #tpu.memory_space<semaphore_mem>>)
        %mul3A_132 = arith.constant 128 : i32
        %mul3A_133 = arith.muli %add3A_126, %mul3A_132 : i32
        %dma_start3A_134 = arith.constant 0 : i32
        %dma_start3A_135 = tpu.memref_slice %arg2[%mul3A_133, %dma_start3A_134] : memref<320000x16xf32, #tpu.memory_space<hbm>> -> memref<128x16xf32, #tpu.memory_space<hbm>>
        %dma_start3A_136 = arith.constant 0 : i32
        %dma_start3A_137 = tpu.memref_slice %arg2[%mul3A_133, %dma_start3A_136] : memref<320000x16xf32, #tpu.memory_space<hbm>> -> memref<128x16xf32, #tpu.memory_space<hbm>>
        tpu.enqueue_dma source(%dma_start3A_137 : memref<128x16xf32, #tpu.memory_space<hbm>>) target(%arg10 : memref<128x16xf32, #tpu.memory_space<vmem>>) target_semaphore(%arg14 : memref<!tpu.dma_semaphore, #tpu.memory_space<semaphore_mem>>)
      } else {
      }
      %add3A_91 = arith.constant 1 : i32
      %add3A_92 = arith.addi %scan3A_48, %add3A_91 : i32
      %mul3A_93 = arith.constant 4 : i32
      %mul3A_94 = arith.muli %mul3A_93, %add3A_92 : i32
      %add3A_95 = arith.constant 1 : i32
      %add3A_96 = arith.addi %mul3A_94, %add3A_95 : i32
      %lt3A_97 = arith.cmpi slt, %add3A_96, %add3A_4 : i32
      %convert_element_type3A_98 = arith.extui %lt3A_97 : i1 to i32
      %cond3A_99 = arith.constant 0 : i32
      %cond3A_100 = arith.cmpi ne, %convert_element_type3A_98, %cond3A_99 : i32
      scf.if %cond3A_100 {
        %dma_wait3A_121 = arith.constant 0 : i32
        %dma_wait3A_122 = arith.constant 0 : i32
        %dma_wait3A_123 = tpu.memref_slice %arg22[%dma_wait3A_121, %dma_wait3A_122] : memref<10240x16xf32, #tpu.memory_space<vmem_shared>> -> memref<10240x16xf32, #tpu.memory_space<vmem_shared>>
        tpu.wait_indirect_dma semaphore(%arg19 : memref<!tpu.dma_semaphore, #tpu.memory_space<semaphore_mem>>) src(%arg11 : memref<128x16xf32, #tpu.memory_space<vmem>>) dst(%dma_wait3A_123 : memref<10240x16xf32, #tpu.memory_space<vmem_shared>>)
        %mul3A_124 = arith.constant 32 : i32
        %mul3A_125 = arith.muli %add3A_96, %mul3A_124 : i32
        %add3A_126 = arith.addi %add3A, %mul3A_125 : i32
        %dma_start3A = arith.constant 0 : i32
        %dma_start3A_127 = tpu.memref_slice %arg3[%add3A_126, %dma_start3A] : memref<2500x128xi32, #tpu.memory_space<hbm>> -> memref<1x128xi32, #tpu.memory_space<hbm>>
        %dma_start3A_128 = tpu.memref_squeeze %dma_start3A_127 : memref<1x128xi32, #tpu.memory_space<hbm>> -> memref<128xi32, #tpu.memory_space<hbm>>
        %dma_start3A_129 = arith.constant 0 : i32
        %dma_start3A_130 = tpu.memref_slice %arg3[%add3A_126, %dma_start3A_129] : memref<2500x128xi32, #tpu.memory_space<hbm>> -> memref<1x128xi32, #tpu.memory_space<hbm>>
        %dma_start3A_131 = tpu.memref_squeeze %dma_start3A_130 : memref<1x128xi32, #tpu.memory_space<hbm>> -> memref<128xi32, #tpu.memory_space<hbm>>
        tpu.enqueue_dma source(%dma_start3A_131 : memref<128xi32, #tpu.memory_space<hbm>>) target(%arg7 : memref<128xi32, #tpu.memory_space<vmem>>) target_semaphore(%arg15 : memref<!tpu.dma_semaphore, #tpu.memory_space<semaphore_mem>>)
        %mul3A_132 = arith.constant 128 : i32
        %mul3A_133 = arith.muli %add3A_126, %mul3A_132 : i32
        %dma_start3A_134 = arith.constant 0 : i32
        %dma_start3A_135 = tpu.memref_slice %arg2[%mul3A_133, %dma_start3A_134] : memref<320000x16xf32, #tpu.memory_space<hbm>> -> memref<128x16xf32, #tpu.memory_space<hbm>>
        %dma_start3A_136 = arith.constant 0 : i32
        %dma_start3A_137 = tpu.memref_slice %arg2[%mul3A_133, %dma_start3A_136] : memref<320000x16xf32, #tpu.memory_space<hbm>> -> memref<128x16xf32, #tpu.memory_space<hbm>>
        tpu.enqueue_dma source(%dma_start3A_137 : memref<128x16xf32, #tpu.memory_space<hbm>>) target(%arg11 : memref<128x16xf32, #tpu.memory_space<vmem>>) target_semaphore(%arg15 : memref<!tpu.dma_semaphore, #tpu.memory_space<semaphore_mem>>)
      } else {
      }
      %add3A_101 = arith.constant 1 : i32
      %add3A_102 = arith.addi %scan3A_48, %add3A_101 : i32
      %mul3A_103 = arith.constant 4 : i32
      %mul3A_104 = arith.muli %mul3A_103, %add3A_102 : i32
      %add3A_105 = arith.constant 2 : i32
      %add3A_106 = arith.addi %mul3A_104, %add3A_105 : i32
      %lt3A_107 = arith.cmpi slt, %add3A_106, %add3A_4 : i32
      %convert_element_type3A_108 = arith.extui %lt3A_107 : i1 to i32
      %cond3A_109 = arith.constant 0 : i32
      %cond3A_110 = arith.cmpi ne, %convert_element_type3A_108, %cond3A_109 : i32
      scf.if %cond3A_110 {
        %dma_wait3A_121 = arith.constant 0 : i32
        %dma_wait3A_122 = arith.constant 0 : i32
        %dma_wait3A_123 = tpu.memref_slice %arg22[%dma_wait3A_121, %dma_wait3A_122] : memref<10240x16xf32, #tpu.memory_space<vmem_shared>> -> memref<10240x16xf32, #tpu.memory_space<vmem_shared>>
        tpu.wait_indirect_dma semaphore(%arg20 : memref<!tpu.dma_semaphore, #tpu.memory_space<semaphore_mem>>) src(%arg12 : memref<128x16xf32, #tpu.memory_space<vmem>>) dst(%dma_wait3A_123 : memref<10240x16xf32, #tpu.memory_space<vmem_shared>>)
        %mul3A_124 = arith.constant 32 : i32
        %mul3A_125 = arith.muli %add3A_106, %mul3A_124 : i32
        %add3A_126 = arith.addi %add3A, %mul3A_125 : i32
        %dma_start3A = arith.constant 0 : i32
        %dma_start3A_127 = tpu.memref_slice %arg3[%add3A_126, %dma_start3A] : memref<2500x128xi32, #tpu.memory_space<hbm>> -> memref<1x128xi32, #tpu.memory_space<hbm>>
        %dma_start3A_128 = tpu.memref_squeeze %dma_start3A_127 : memref<1x128xi32, #tpu.memory_space<hbm>> -> memref<128xi32, #tpu.memory_space<hbm>>
        %dma_start3A_129 = arith.constant 0 : i32
        %dma_start3A_130 = tpu.memref_slice %arg3[%add3A_126, %dma_start3A_129] : memref<2500x128xi32, #tpu.memory_space<hbm>> -> memref<1x128xi32, #tpu.memory_space<hbm>>
        %dma_start3A_131 = tpu.memref_squeeze %dma_start3A_130 : memref<1x128xi32, #tpu.memory_space<hbm>> -> memref<128xi32, #tpu.memory_space<hbm>>
        tpu.enqueue_dma source(%dma_start3A_131 : memref<128xi32, #tpu.memory_space<hbm>>) target(%arg8 : memref<128xi32, #tpu.memory_space<vmem>>) target_semaphore(%arg16 : memref<!tpu.dma_semaphore, #tpu.memory_space<semaphore_mem>>)
        %mul3A_132 = arith.constant 128 : i32
        %mul3A_133 = arith.muli %add3A_126, %mul3A_132 : i32
        %dma_start3A_134 = arith.constant 0 : i32
        %dma_start3A_135 = tpu.memref_slice %arg2[%mul3A_133, %dma_start3A_134] : memref<320000x16xf32, #tpu.memory_space<hbm>> -> memref<128x16xf32, #tpu.memory_space<hbm>>
        %dma_start3A_136 = arith.constant 0 : i32
        %dma_start3A_137 = tpu.memref_slice %arg2[%mul3A_133, %dma_start3A_136] : memref<320000x16xf32, #tpu.memory_space<hbm>> -> memref<128x16xf32, #tpu.memory_space<hbm>>
        tpu.enqueue_dma source(%dma_start3A_137 : memref<128x16xf32, #tpu.memory_space<hbm>>) target(%arg12 : memref<128x16xf32, #tpu.memory_space<vmem>>) target_semaphore(%arg16 : memref<!tpu.dma_semaphore, #tpu.memory_space<semaphore_mem>>)
      } else {
      }
      %add3A_111 = arith.constant 1 : i32
      %add3A_112 = arith.addi %scan3A_48, %add3A_111 : i32
      %mul3A_113 = arith.constant 4 : i32
      %mul3A_114 = arith.muli %mul3A_113, %add3A_112 : i32
      %add3A_115 = arith.constant 3 : i32
      %add3A_116 = arith.addi %mul3A_114, %add3A_115 : i32
      %lt3A_117 = arith.cmpi slt, %add3A_116, %add3A_4 : i32
      %convert_element_type3A_118 = arith.extui %lt3A_117 : i1 to i32
      %cond3A_119 = arith.constant 0 : i32
      %cond3A_120 = arith.cmpi ne, %convert_element_type3A_118, %cond3A_119 : i32
      scf.if %cond3A_120 {
        %dma_wait3A_121 = arith.constant 0 : i32
        %dma_wait3A_122 = arith.constant 0 : i32
        %dma_wait3A_123 = tpu.memref_slice %arg22[%dma_wait3A_121, %dma_wait3A_122] : memref<10240x16xf32, #tpu.memory_space<vmem_shared>> -> memref<10240x16xf32, #tpu.memory_space<vmem_shared>>
        tpu.wait_indirect_dma semaphore(%arg21 : memref<!tpu.dma_semaphore, #tpu.memory_space<semaphore_mem>>) src(%arg13 : memref<128x16xf32, #tpu.memory_space<vmem>>) dst(%dma_wait3A_123 : memref<10240x16xf32, #tpu.memory_space<vmem_shared>>)
        %mul3A_124 = arith.constant 32 : i32
        %mul3A_125 = arith.muli %add3A_116, %mul3A_124 : i32
        %add3A_126 = arith.addi %add3A, %mul3A_125 : i32
        %dma_start3A = arith.constant 0 : i32
        %dma_start3A_127 = tpu.memref_slice %arg3[%add3A_126, %dma_start3A] : memref<2500x128xi32, #tpu.memory_space<hbm>> -> memref<1x128xi32, #tpu.memory_space<hbm>>
        %dma_start3A_128 = tpu.memref_squeeze %dma_start3A_127 : memref<1x128xi32, #tpu.memory_space<hbm>> -> memref<128xi32, #tpu.memory_space<hbm>>
        %dma_start3A_129 = arith.constant 0 : i32
        %dma_start3A_130 = tpu.memref_slice %arg3[%add3A_126, %dma_start3A_129] : memref<2500x128xi32, #tpu.memory_space<hbm>> -> memref<1x128xi32, #tpu.memory_space<hbm>>
        %dma_start3A_131 = tpu.memref_squeeze %dma_start3A_130 : memref<1x128xi32, #tpu.memory_space<hbm>> -> memref<128xi32, #tpu.memory_space<hbm>>
        tpu.enqueue_dma source(%dma_start3A_131 : memref<128xi32, #tpu.memory_space<hbm>>) target(%arg9 : memref<128xi32, #tpu.memory_space<vmem>>) target_semaphore(%arg17 : memref<!tpu.dma_semaphore, #tpu.memory_space<semaphore_mem>>)
        %mul3A_132 = arith.constant 128 : i32
        %mul3A_133 = arith.muli %add3A_126, %mul3A_132 : i32
        %dma_start3A_134 = arith.constant 0 : i32
        %dma_start3A_135 = tpu.memref_slice %arg2[%mul3A_133, %dma_start3A_134] : memref<320000x16xf32, #tpu.memory_space<hbm>> -> memref<128x16xf32, #tpu.memory_space<hbm>>
        %dma_start3A_136 = arith.constant 0 : i32
        %dma_start3A_137 = tpu.memref_slice %arg2[%mul3A_133, %dma_start3A_136] : memref<320000x16xf32, #tpu.memory_space<hbm>> -> memref<128x16xf32, #tpu.memory_space<hbm>>
        tpu.enqueue_dma source(%dma_start3A_137 : memref<128x16xf32, #tpu.memory_space<hbm>>) target(%arg13 : memref<128x16xf32, #tpu.memory_space<vmem>>) target_semaphore(%arg17 : memref<!tpu.dma_semaphore, #tpu.memory_space<semaphore_mem>>)
      } else {
      }
    }
    %scan3A_30 = arith.constant 20 : i32
    %dma_wait3A = arith.constant 0 : i32
    %dma_wait3A_31 = arith.constant 0 : i32
    %dma_wait3A_32 = tpu.memref_slice %arg22[%dma_wait3A, %dma_wait3A_31] : memref<10240x16xf32, #tpu.memory_space<vmem_shared>> -> memref<10240x16xf32, #tpu.memory_space<vmem_shared>>
    tpu.wait_indirect_dma semaphore(%arg18 : memref<!tpu.dma_semaphore, #tpu.memory_space<semaphore_mem>>) src(%arg10 : memref<128x16xf32, #tpu.memory_space<vmem>>) dst(%dma_wait3A_32 : memref<10240x16xf32, #tpu.memory_space<vmem_shared>>)
    %dma_wait3A_33 = arith.constant 0 : i32
    %dma_wait3A_34 = arith.constant 0 : i32
    %dma_wait3A_35 = tpu.memref_slice %arg22[%dma_wait3A_33, %dma_wait3A_34] : memref<10240x16xf32, #tpu.memory_space<vmem_shared>> -> memref<10240x16xf32, #tpu.memory_space<vmem_shared>>
    tpu.wait_indirect_dma semaphore(%arg19 : memref<!tpu.dma_semaphore, #tpu.memory_space<semaphore_mem>>) src(%arg11 : memref<128x16xf32, #tpu.memory_space<vmem>>) dst(%dma_wait3A_35 : memref<10240x16xf32, #tpu.memory_space<vmem_shared>>)
    %dma_wait3A_36 = arith.constant 0 : i32
    %dma_wait3A_37 = arith.constant 0 : i32
    %dma_wait3A_38 = tpu.memref_slice %arg22[%dma_wait3A_36, %dma_wait3A_37] : memref<10240x16xf32, #tpu.memory_space<vmem_shared>> -> memref<10240x16xf32, #tpu.memory_space<vmem_shared>>
    tpu.wait_indirect_dma semaphore(%arg20 : memref<!tpu.dma_semaphore, #tpu.memory_space<semaphore_mem>>) src(%arg12 : memref<128x16xf32, #tpu.memory_space<vmem>>) dst(%dma_wait3A_38 : memref<10240x16xf32, #tpu.memory_space<vmem_shared>>)
    %dma_wait3A_39 = arith.constant 0 : i32
    %dma_wait3A_40 = arith.constant 0 : i32
    %dma_wait3A_41 = tpu.memref_slice %arg22[%dma_wait3A_39, %dma_wait3A_40] : memref<10240x16xf32, #tpu.memory_space<vmem_shared>> -> memref<10240x16xf32, #tpu.memory_space<vmem_shared>>
    tpu.wait_indirect_dma semaphore(%arg21 : memref<!tpu.dma_semaphore, #tpu.memory_space<semaphore_mem>>) src(%arg13 : memref<128x16xf32, #tpu.memory_space<vmem>>) dst(%dma_wait3A_41 : memref<10240x16xf32, #tpu.memory_space<vmem_shared>>)
    %barrier3A_42 = arith.constant 0 : index
    tpu.barrier barrier_id(%barrier3A_42)
    %eq3A_43 = arith.constant 0 : i32
    %eq3A_44 = arith.cmpi eq, %arg1, %eq3A_43 : i32
    %convert_element_type3A_45 = arith.extui %eq3A_44 : i1 to i32
    %cond3A_46 = arith.constant 0 : i32
    %cond3A_47 = arith.cmpi ne, %convert_element_type3A_45, %cond3A_46 : i32
    scf.if %cond3A_47 {
      "tpu.region"() ({
        %run_scoped3A = tpu.sem_alloc : memref<!tpu.dma_semaphore, #tpu.memory_space<semaphore_mem>>
        %dma_start3A = arith.constant 0 : i32
        %dma_start3A_48 = arith.constant 0 : i32
        %dma_start3A_49 = tpu.memref_slice %arg5[%arg0, %dma_start3A, %dma_start3A_48] : memref<2x10240x16xf32, #tpu.memory_space<hbm>> -> memref<1x10240x16xf32, #tpu.memory_space<hbm>>
        %dma_start3A_50 = tpu.memref_squeeze %dma_start3A_49 : memref<1x10240x16xf32, #tpu.memory_space<hbm>> -> memref<10240x16xf32, #tpu.memory_space<hbm>>
        tpu.enqueue_dma source(%arg22 : memref<10240x16xf32, #tpu.memory_space<vmem_shared>>) target(%dma_start3A_50 : memref<10240x16xf32, #tpu.memory_space<hbm>>) target_semaphore(%run_scoped3A : memref<!tpu.dma_semaphore, #tpu.memory_space<semaphore_mem>>)
        %dma_wait3A_51 = arith.constant 0 : i32
        %dma_wait3A_52 = arith.constant 0 : i32
        %dma_wait3A_53 = tpu.memref_slice %arg5[%arg0, %dma_wait3A_51, %dma_wait3A_52] : memref<2x10240x16xf32, #tpu.memory_space<hbm>> -> memref<1x10240x16xf32, #tpu.memory_space<hbm>>
        %dma_wait3A_54 = tpu.memref_squeeze %dma_wait3A_53 : memref<1x10240x16xf32, #tpu.memory_space<hbm>> -> memref<10240x16xf32, #tpu.memory_space<hbm>>
        tpu.wait_dma2 semaphore(%run_scoped3A : memref<!tpu.dma_semaphore, #tpu.memory_space<semaphore_mem>>) src(%arg22 : memref<10240x16xf32, #tpu.memory_space<vmem_shared>>) dst(%dma_wait3A_54 : memref<10240x16xf32, #tpu.memory_space<hbm>>)
        tpu.yield
      }) : () -> ()
    } else {
    }
    return
  }
}

#map = affine_map<(d0, d1) -> (0, 0)>
module attributes {stable_mosaic.version = 14 : i64} {
  func.func @_gather_body(%arg0: i32, %arg1: i32, %arg2: memref<10000x128xf32, #tpu.memory_space<hbm>>, %arg3: memref<10000x128xf32, #tpu.memory_space<hbm>>, %arg4: memref<2500x128xi32, #tpu.memory_space<hbm>>, %arg5: memref<2500x128xi32, #tpu.memory_space<hbm>>, %arg6: memref<320000x128xf32, #tpu.memory_space<hbm>>, %arg7: memref<128xi32, #tpu.memory_space<vmem>>, %arg8: memref<128xi32, #tpu.memory_space<vmem>>, %arg9: memref<128xi32, #tpu.memory_space<vmem>>, %arg10: memref<128xi32, #tpu.memory_space<vmem>>, %arg11: memref<128x128xf32, #tpu.memory_space<vmem>>, %arg12: memref<128x128xf32, #tpu.memory_space<vmem>>, %arg13: memref<128x128xf32, #tpu.memory_space<vmem>>, %arg14: memref<128x128xf32, #tpu.memory_space<vmem>>, %arg15: memref<128x128xf32, #tpu.memory_space<vmem>>, %arg16: memref<128x128xf32, #tpu.memory_space<vmem>>, %arg17: memref<!tpu.dma_semaphore, #tpu.memory_space<semaphore_mem>>, %arg18: memref<!tpu.dma_semaphore, #tpu.memory_space<semaphore_mem>>, %arg19: memref<!tpu.dma_semaphore, #tpu.memory_space<semaphore_mem>>, %arg20: memref<!tpu.dma_semaphore, #tpu.memory_space<semaphore_mem>>) attributes {dimension_semantics = [#tpu.dimension_semantics<core_parallel>, #tpu.dimension_semantics<subcore_parallel>], iteration_bounds = array<i64: 2, 16>, scalar_prefetch = 0 : i64, scratch_operands = 14 : i64, tpu.core_type = #tpu.core_type<sc_vector_subcore>, window_params = [{transform_indices = #map}, {transform_indices = #map}, {transform_indices = #map}, {transform_indices = #map}, {transform_indices = #map}]} {
    %mul3A = arith.constant 2 : i32
    %mul3A_0 = arith.muli %arg1, %mul3A : i32
    %add3A = arith.addi %mul3A_0, %arg0 : i32
    %lt3A = arith.constant 4 : i32
    %lt3A_1 = arith.cmpi slt, %add3A, %lt3A : i32
    %jit3A = arith.constant 1 : i32
    %jit3A_2 = arith.constant 0 : i32
    %select_n3A = arith.select %lt3A_1, %jit3A, %jit3A_2 : i32
    %add3A_3 = arith.constant 78 : i32
    %add3A_4 = arith.addi %add3A_3, %select_n3A : i32
    %add3A_5 = arith.constant 0 : i32
    %add3A_6 = arith.addi %add3A, %add3A_5 : i32
    "tpu.region"() ({
      %run_scoped3A = tpu.sem_alloc : memref<!tpu.dma_semaphore, #tpu.memory_space<semaphore_mem>>
      %dma_start3A_28 = arith.constant 0 : i32
      %dma_start3A_29 = tpu.memref_slice %arg4[%add3A_6, %dma_start3A_28] : memref<2500x128xi32, #tpu.memory_space<hbm>> -> memref<1x128xi32, #tpu.memory_space<hbm>>
      %dma_start3A_30 = tpu.memref_squeeze %dma_start3A_29 : memref<1x128xi32, #tpu.memory_space<hbm>> -> memref<128xi32, #tpu.memory_space<hbm>>
      %dma_start3A_31 = arith.constant 0 : i32
      %dma_start3A_32 = tpu.memref_slice %arg4[%add3A_6, %dma_start3A_31] : memref<2500x128xi32, #tpu.memory_space<hbm>> -> memref<1x128xi32, #tpu.memory_space<hbm>>
      %dma_start3A_33 = tpu.memref_squeeze %dma_start3A_32 : memref<1x128xi32, #tpu.memory_space<hbm>> -> memref<128xi32, #tpu.memory_space<hbm>>
      tpu.enqueue_dma source(%dma_start3A_33 : memref<128xi32, #tpu.memory_space<hbm>>) target(%arg7 : memref<128xi32, #tpu.memory_space<vmem>>) target_semaphore(%run_scoped3A : memref<!tpu.dma_semaphore, #tpu.memory_space<semaphore_mem>>)
      %dma_wait3A_34 = arith.constant 0 : i32
      %dma_wait3A_35 = tpu.memref_slice %arg4[%add3A_6, %dma_wait3A_34] : memref<2500x128xi32, #tpu.memory_space<hbm>> -> memref<1x128xi32, #tpu.memory_space<hbm>>
      %dma_wait3A_36 = tpu.memref_squeeze %dma_wait3A_35 : memref<1x128xi32, #tpu.memory_space<hbm>> -> memref<128xi32, #tpu.memory_space<hbm>>
      %dma_wait3A_37 = arith.constant 0 : i32
      %dma_wait3A_38 = tpu.memref_slice %arg4[%add3A_6, %dma_wait3A_37] : memref<2500x128xi32, #tpu.memory_space<hbm>> -> memref<1x128xi32, #tpu.memory_space<hbm>>
      %dma_wait3A_39 = tpu.memref_squeeze %dma_wait3A_38 : memref<1x128xi32, #tpu.memory_space<hbm>> -> memref<128xi32, #tpu.memory_space<hbm>>
      tpu.wait_dma2 semaphore(%run_scoped3A : memref<!tpu.dma_semaphore, #tpu.memory_space<semaphore_mem>>) src(%dma_wait3A_39 : memref<128xi32, #tpu.memory_space<hbm>>) dst(%arg7 : memref<128xi32, #tpu.memory_space<vmem>>)
      tpu.yield
    }) : () -> ()
    "tpu.region"() ({
      %run_scoped3A = tpu.sem_alloc : memref<!tpu.dma_semaphore, #tpu.memory_space<semaphore_mem>>
      %dma_start3A_28 = arith.constant 0 : i32
      %dma_start3A_29 = tpu.memref_slice %arg5[%add3A_6, %dma_start3A_28] : memref<2500x128xi32, #tpu.memory_space<hbm>> -> memref<1x128xi32, #tpu.memory_space<hbm>>
      %dma_start3A_30 = tpu.memref_squeeze %dma_start3A_29 : memref<1x128xi32, #tpu.memory_space<hbm>> -> memref<128xi32, #tpu.memory_space<hbm>>
      %dma_start3A_31 = arith.constant 0 : i32
      %dma_start3A_32 = tpu.memref_slice %arg5[%add3A_6, %dma_start3A_31] : memref<2500x128xi32, #tpu.memory_space<hbm>> -> memref<1x128xi32, #tpu.memory_space<hbm>>
      %dma_start3A_33 = tpu.memref_squeeze %dma_start3A_32 : memref<1x128xi32, #tpu.memory_space<hbm>> -> memref<128xi32, #tpu.memory_space<hbm>>
      tpu.enqueue_dma source(%dma_start3A_33 : memref<128xi32, #tpu.memory_space<hbm>>) target(%arg8 : memref<128xi32, #tpu.memory_space<vmem>>) target_semaphore(%run_scoped3A : memref<!tpu.dma_semaphore, #tpu.memory_space<semaphore_mem>>)
      %dma_wait3A_34 = arith.constant 0 : i32
      %dma_wait3A_35 = tpu.memref_slice %arg5[%add3A_6, %dma_wait3A_34] : memref<2500x128xi32, #tpu.memory_space<hbm>> -> memref<1x128xi32, #tpu.memory_space<hbm>>
      %dma_wait3A_36 = tpu.memref_squeeze %dma_wait3A_35 : memref<1x128xi32, #tpu.memory_space<hbm>> -> memref<128xi32, #tpu.memory_space<hbm>>
      %dma_wait3A_37 = arith.constant 0 : i32
      %dma_wait3A_38 = tpu.memref_slice %arg5[%add3A_6, %dma_wait3A_37] : memref<2500x128xi32, #tpu.memory_space<hbm>> -> memref<1x128xi32, #tpu.memory_space<hbm>>
      %dma_wait3A_39 = tpu.memref_squeeze %dma_wait3A_38 : memref<1x128xi32, #tpu.memory_space<hbm>> -> memref<128xi32, #tpu.memory_space<hbm>>
      tpu.wait_dma2 semaphore(%run_scoped3A : memref<!tpu.dma_semaphore, #tpu.memory_space<semaphore_mem>>) src(%dma_wait3A_39 : memref<128xi32, #tpu.memory_space<hbm>>) dst(%arg8 : memref<128xi32, #tpu.memory_space<vmem>>)
      tpu.yield
    }) : () -> ()
    %dma_start3A = arith.constant 0 : i32
    %dma_start3A_7 = arith.constant 0 : i32
    %dma_start3A_8 = tpu.memref_slice %arg2[%dma_start3A, %dma_start3A_7] : memref<10000x128xf32, #tpu.memory_space<hbm>> -> memref<10000x128xf32, #tpu.memory_space<hbm>>
    tpu.enqueue_indirect_dma source(%dma_start3A_8 : memref<10000x128xf32, #tpu.memory_space<hbm>>) target(%arg11 : memref<128x128xf32, #tpu.memory_space<vmem>>) offsets(%arg7 : memref<128xi32, #tpu.memory_space<vmem>>) semaphore(%arg17 : memref<!tpu.dma_semaphore, #tpu.memory_space<semaphore_mem>>)
    %dma_start3A_9 = arith.constant 0 : i32
    %dma_start3A_10 = arith.constant 0 : i32
    %dma_start3A_11 = tpu.memref_slice %arg3[%dma_start3A_9, %dma_start3A_10] : memref<10000x128xf32, #tpu.memory_space<hbm>> -> memref<10000x128xf32, #tpu.memory_space<hbm>>
    tpu.enqueue_indirect_dma source(%dma_start3A_11 : memref<10000x128xf32, #tpu.memory_space<hbm>>) target(%arg12 : memref<128x128xf32, #tpu.memory_space<vmem>>) offsets(%arg8 : memref<128xi32, #tpu.memory_space<vmem>>) semaphore(%arg17 : memref<!tpu.dma_semaphore, #tpu.memory_space<semaphore_mem>>)
    %scan3A = arith.constant 0 : i32
    %scan3A_12 = arith.constant 0 : i32
    %scan3A_13 = arith.constant 40 : i32
    %scan3A_14 = arith.addi %scan3A_12, %scan3A_13 : i32
    %scan3A_15 = arith.constant 1 : i32
    scf.for %scan3A_28 = %scan3A_12 to %scan3A_14 step %scan3A_15  : i32 {
      %mul3A_29 = arith.constant 2 : i32
      %mul3A_30 = arith.muli %mul3A_29, %scan3A_28 : i32
      %mul3A_31 = arith.constant 2 : i32
      %mul3A_32 = arith.muli %mul3A_31, %scan3A_28 : i32
      %add3A_33 = arith.constant 1 : i32
      %add3A_34 = arith.addi %mul3A_32, %add3A_33 : i32
      %mul3A_35 = arith.constant 2 : i32
      %mul3A_36 = arith.muli %mul3A_35, %scan3A_28 : i32
      %add3A_37 = arith.constant 2 : i32
      %add3A_38 = arith.addi %mul3A_36, %add3A_37 : i32
      %lt3A_39 = arith.cmpi slt, %add3A_34, %add3A_4 : i32
      %convert_element_type3A = arith.extui %lt3A_39 : i1 to i32
      %cond3A = arith.constant 0 : i32
      %cond3A_40 = arith.cmpi ne, %convert_element_type3A, %cond3A : i32
      scf.if %cond3A_40 {
        %mul3A_53 = arith.constant 32 : i32
        %mul3A_54 = arith.muli %add3A_34, %mul3A_53 : i32
        %add3A_55 = arith.addi %add3A, %mul3A_54 : i32
        "tpu.region"() ({
          %run_scoped3A = tpu.sem_alloc : memref<!tpu.dma_semaphore, #tpu.memory_space<semaphore_mem>>
          %dma_start3A_62 = arith.constant 0 : i32
          %dma_start3A_63 = tpu.memref_slice %arg4[%add3A_55, %dma_start3A_62] : memref<2500x128xi32, #tpu.memory_space<hbm>> -> memref<1x128xi32, #tpu.memory_space<hbm>>
          %dma_start3A_64 = tpu.memref_squeeze %dma_start3A_63 : memref<1x128xi32, #tpu.memory_space<hbm>> -> memref<128xi32, #tpu.memory_space<hbm>>
          %dma_start3A_65 = arith.constant 0 : i32
          %dma_start3A_66 = tpu.memref_slice %arg4[%add3A_55, %dma_start3A_65] : memref<2500x128xi32, #tpu.memory_space<hbm>> -> memref<1x128xi32, #tpu.memory_space<hbm>>
          %dma_start3A_67 = tpu.memref_squeeze %dma_start3A_66 : memref<1x128xi32, #tpu.memory_space<hbm>> -> memref<128xi32, #tpu.memory_space<hbm>>
          tpu.enqueue_dma source(%dma_start3A_67 : memref<128xi32, #tpu.memory_space<hbm>>) target(%arg9 : memref<128xi32, #tpu.memory_space<vmem>>) target_semaphore(%run_scoped3A : memref<!tpu.dma_semaphore, #tpu.memory_space<semaphore_mem>>)
          %dma_wait3A_68 = arith.constant 0 : i32
          %dma_wait3A_69 = tpu.memref_slice %arg4[%add3A_55, %dma_wait3A_68] : memref<2500x128xi32, #tpu.memory_space<hbm>> -> memref<1x128xi32, #tpu.memory_space<hbm>>
          %dma_wait3A_70 = tpu.memref_squeeze %dma_wait3A_69 : memref<1x128xi32, #tpu.memory_space<hbm>> -> memref<128xi32, #tpu.memory_space<hbm>>
          %dma_wait3A_71 = arith.constant 0 : i32
          %dma_wait3A_72 = tpu.memref_slice %arg4[%add3A_55, %dma_wait3A_71] : memref<2500x128xi32, #tpu.memory_space<hbm>> -> memref<1x128xi32, #tpu.memory_space<hbm>>
          %dma_wait3A_73 = tpu.memref_squeeze %dma_wait3A_72 : memref<1x128xi32, #tpu.memory_space<hbm>> -> memref<128xi32, #tpu.memory_space<hbm>>
          tpu.wait_dma2 semaphore(%run_scoped3A : memref<!tpu.dma_semaphore, #tpu.memory_space<semaphore_mem>>) src(%dma_wait3A_73 : memref<128xi32, #tpu.memory_space<hbm>>) dst(%arg9 : memref<128xi32, #tpu.memory_space<vmem>>)
          tpu.yield
        }) : () -> ()
        "tpu.region"() ({
          %run_scoped3A = tpu.sem_alloc : memref<!tpu.dma_semaphore, #tpu.memory_space<semaphore_mem>>
          %dma_start3A_62 = arith.constant 0 : i32
          %dma_start3A_63 = tpu.memref_slice %arg5[%add3A_55, %dma_start3A_62] : memref<2500x128xi32, #tpu.memory_space<hbm>> -> memref<1x128xi32, #tpu.memory_space<hbm>>
          %dma_start3A_64 = tpu.memref_squeeze %dma_start3A_63 : memref<1x128xi32, #tpu.memory_space<hbm>> -> memref<128xi32, #tpu.memory_space<hbm>>
          %dma_start3A_65 = arith.constant 0 : i32
          %dma_start3A_66 = tpu.memref_slice %arg5[%add3A_55, %dma_start3A_65] : memref<2500x128xi32, #tpu.memory_space<hbm>> -> memref<1x128xi32, #tpu.memory_space<hbm>>
          %dma_start3A_67 = tpu.memref_squeeze %dma_start3A_66 : memref<1x128xi32, #tpu.memory_space<hbm>> -> memref<128xi32, #tpu.memory_space<hbm>>
          tpu.enqueue_dma source(%dma_start3A_67 : memref<128xi32, #tpu.memory_space<hbm>>) target(%arg10 : memref<128xi32, #tpu.memory_space<vmem>>) target_semaphore(%run_scoped3A : memref<!tpu.dma_semaphore, #tpu.memory_space<semaphore_mem>>)
          %dma_wait3A_68 = arith.constant 0 : i32
          %dma_wait3A_69 = tpu.memref_slice %arg5[%add3A_55, %dma_wait3A_68] : memref<2500x128xi32, #tpu.memory_space<hbm>> -> memref<1x128xi32, #tpu.memory_space<hbm>>
          %dma_wait3A_70 = tpu.memref_squeeze %dma_wait3A_69 : memref<1x128xi32, #tpu.memory_space<hbm>> -> memref<128xi32, #tpu.memory_space<hbm>>
          %dma_wait3A_71 = arith.constant 0 : i32
          %dma_wait3A_72 = tpu.memref_slice %arg5[%add3A_55, %dma_wait3A_71] : memref<2500x128xi32, #tpu.memory_space<hbm>> -> memref<1x128xi32, #tpu.memory_space<hbm>>
          %dma_wait3A_73 = tpu.memref_squeeze %dma_wait3A_72 : memref<1x128xi32, #tpu.memory_space<hbm>> -> memref<128xi32, #tpu.memory_space<hbm>>
          tpu.wait_dma2 semaphore(%run_scoped3A : memref<!tpu.dma_semaphore, #tpu.memory_space<semaphore_mem>>) src(%dma_wait3A_73 : memref<128xi32, #tpu.memory_space<hbm>>) dst(%arg10 : memref<128xi32, #tpu.memory_space<vmem>>)
          tpu.yield
        }) : () -> ()
        %dma_start3A_56 = arith.constant 0 : i32
        %dma_start3A_57 = arith.constant 0 : i32
        %dma_start3A_58 = tpu.memref_slice %arg2[%dma_start3A_56, %dma_start3A_57] : memref<10000x128xf32, #tpu.memory_space<hbm>> -> memref<10000x128xf32, #tpu.memory_space<hbm>>
        tpu.enqueue_indirect_dma source(%dma_start3A_58 : memref<10000x128xf32, #tpu.memory_space<hbm>>) target(%arg13 : memref<128x128xf32, #tpu.memory_space<vmem>>) offsets(%arg9 : memref<128xi32, #tpu.memory_space<vmem>>) semaphore(%arg18 : memref<!tpu.dma_semaphore, #tpu.memory_space<semaphore_mem>>)
        %dma_start3A_59 = arith.constant 0 : i32
        %dma_start3A_60 = arith.constant 0 : i32
        %dma_start3A_61 = tpu.memref_slice %arg3[%dma_start3A_59, %dma_start3A_60] : memref<10000x128xf32, #tpu.memory_space<hbm>> -> memref<10000x128xf32, #tpu.memory_space<hbm>>
        tpu.enqueue_indirect_dma source(%dma_start3A_61 : memref<10000x128xf32, #tpu.memory_space<hbm>>) target(%arg14 : memref<128x128xf32, #tpu.memory_space<vmem>>) offsets(%arg10 : memref<128xi32, #tpu.memory_space<vmem>>) semaphore(%arg18 : memref<!tpu.dma_semaphore, #tpu.memory_space<semaphore_mem>>)
      } else {
      }
      %lt3A_41 = arith.cmpi slt, %mul3A_30, %add3A_4 : i32
      %convert_element_type3A_42 = arith.extui %lt3A_41 : i1 to i32
      %cond3A_43 = arith.constant 0 : i32
      %cond3A_44 = arith.cmpi ne, %convert_element_type3A_42, %cond3A_43 : i32
      scf.if %cond3A_44 {
        %dma_wait3A_53 = arith.constant 0 : i32
        %dma_wait3A_54 = arith.constant 0 : i32
        %dma_wait3A_55 = tpu.memref_slice %arg2[%dma_wait3A_53, %dma_wait3A_54] : memref<10000x128xf32, #tpu.memory_space<hbm>> -> memref<10000x128xf32, #tpu.memory_space<hbm>>
        tpu.wait_indirect_dma semaphore(%arg17 : memref<!tpu.dma_semaphore, #tpu.memory_space<semaphore_mem>>) src(%dma_wait3A_55 : memref<10000x128xf32, #tpu.memory_space<hbm>>) dst(%arg11 : memref<128x128xf32, #tpu.memory_space<vmem>>)
        %dma_wait3A_56 = arith.constant 0 : i32
        %dma_wait3A_57 = arith.constant 0 : i32
        %dma_wait3A_58 = tpu.memref_slice %arg3[%dma_wait3A_56, %dma_wait3A_57] : memref<10000x128xf32, #tpu.memory_space<hbm>> -> memref<10000x128xf32, #tpu.memory_space<hbm>>
        tpu.wait_indirect_dma semaphore(%arg17 : memref<!tpu.dma_semaphore, #tpu.memory_space<semaphore_mem>>) src(%dma_wait3A_58 : memref<10000x128xf32, #tpu.memory_space<hbm>>) dst(%arg12 : memref<128x128xf32, #tpu.memory_space<vmem>>)
        %ge3A = arith.constant 2 : i32
        %ge3A_59 = arith.cmpi sge, %mul3A_30, %ge3A : i32
        %convert_element_type3A_60 = arith.extui %ge3A_59 : i1 to i32
        %cond3A_61 = arith.constant 0 : i32
        %cond3A_62 = arith.cmpi ne, %convert_element_type3A_60, %cond3A_61 : i32
        scf.if %cond3A_62 {
          %dma_wait3A_78 = arith.constant 0 : i32
          %dma_wait3A_79 = arith.constant 0 : i32
          %dma_wait3A_80 = tpu.memref_slice %arg6[%dma_wait3A_78, %dma_wait3A_79] : memref<320000x128xf32, #tpu.memory_space<hbm>> -> memref<128x128xf32, #tpu.memory_space<hbm>>
          %dma_wait3A_81 = arith.constant 0 : i32
          %dma_wait3A_82 = arith.constant 0 : i32
          %dma_wait3A_83 = tpu.memref_slice %arg6[%dma_wait3A_81, %dma_wait3A_82] : memref<320000x128xf32, #tpu.memory_space<hbm>> -> memref<128x128xf32, #tpu.memory_space<hbm>>
          tpu.wait_dma2 semaphore(%arg19 : memref<!tpu.dma_semaphore, #tpu.memory_space<semaphore_mem>>) src(%arg15 : memref<128x128xf32, #tpu.memory_space<vmem>>) dst(%dma_wait3A_83 : memref<128x128xf32, #tpu.memory_space<hbm>>)
        } else {
        }
        %scan3A_63 = arith.constant 0 : i32
        %scan3A_64 = arith.constant 0 : i32
        %scan3A_65 = arith.constant 128 : i32
        %scan3A_66 = arith.addi %scan3A_64, %scan3A_65 : i32
        %scan3A_67 = arith.constant 1 : i32
        scf.for %scan3A_78 = %scan3A_64 to %scan3A_66 step %scan3A_67  : i32 {
          %get3A = arith.index_cast %scan3A_78 : i32 to index
          %get3A_79 = arith.constant 0 : index
          %get3A_80 = tpu.vector_load %arg11[%get3A, %get3A_79] {strides = array<i32>} : memref<128x128xf32, #tpu.memory_space<vmem>>, vector<1x16xf32>,
          %get3A_81 = vector.shape_cast %get3A_80 : vector<1x16xf32> to vector<16xf32>
          %get3A_82 = arith.index_cast %scan3A_78 : i32 to index
          %get3A_83 = arith.constant 0 : index
          %get3A_84 = tpu.vector_load %arg12[%get3A_82, %get3A_83] {strides = array<i32>} : memref<128x128xf32, #tpu.memory_space<vmem>>, vector<1x16xf32>,
          %get3A_85 = vector.shape_cast %get3A_84 : vector<1x16xf32> to vector<16xf32>
          %add3A_86 = arith.addf %get3A_81, %get3A_85 : vector<16xf32>
          %swap3A = arith.index_cast %scan3A_78 : i32 to index
          %swap3A_87 = arith.constant 0 : index
          %swap3A_88 = tpu.vector_load %arg15[%swap3A, %swap3A_87] {strides = array<i32>} : memref<128x128xf32, #tpu.memory_space<vmem>>, vector<1x16xf32>,
          %swap3A_89 = vector.shape_cast %swap3A_88 : vector<1x16xf32> to vector<16xf32>
          %swap3A_90 = vector.shape_cast %add3A_86 : vector<16xf32> to vector<1x16xf32>
          tpu.vector_store %arg15[%swap3A, %swap3A_87], %swap3A_90 {strides = array<i32>} : memref<128x128xf32, #tpu.memory_space<vmem>>, vector<1x16xf32>,
          %get3A_91 = arith.index_cast %scan3A_78 : i32 to index
          %get3A_92 = arith.constant 16 : index
          %get3A_93 = tpu.vector_load %arg11[%get3A_91, %get3A_92] {strides = array<i32>} : memref<128x128xf32, #tpu.memory_space<vmem>>, vector<1x16xf32>,
          %get3A_94 = vector.shape_cast %get3A_93 : vector<1x16xf32> to vector<16xf32>
          %get3A_95 = arith.index_cast %scan3A_78 : i32 to index
          %get3A_96 = arith.constant 16 : index
          %get3A_97 = tpu.vector_load %arg12[%get3A_95, %get3A_96] {strides = array<i32>} : memref<128x128xf32, #tpu.memory_space<vmem>>, vector<1x16xf32>,
          %get3A_98 = vector.shape_cast %get3A_97 : vector<1x16xf32> to vector<16xf32>
          %add3A_99 = arith.addf %get3A_94, %get3A_98 : vector<16xf32>
          %swap3A_100 = arith.index_cast %scan3A_78 : i32 to index
          %swap3A_101 = arith.constant 16 : index
          %swap3A_102 = tpu.vector_load %arg15[%swap3A_100, %swap3A_101] {strides = array<i32>} : memref<128x128xf32, #tpu.memory_space<vmem>>, vector<1x16xf32>,
          %swap3A_103 = vector.shape_cast %swap3A_102 : vector<1x16xf32> to vector<16xf32>
          %swap3A_104 = vector.shape_cast %add3A_99 : vector<16xf32> to vector<1x16xf32>
          tpu.vector_store %arg15[%swap3A_100, %swap3A_101], %swap3A_104 {strides = array<i32>} : memref<128x128xf32, #tpu.memory_space<vmem>>, vector<1x16xf32>,
          %get3A_105 = arith.index_cast %scan3A_78 : i32 to index
          %get3A_106 = arith.constant 32 : index
          %get3A_107 = tpu.vector_load %arg11[%get3A_105, %get3A_106] {strides = array<i32>} : memref<128x128xf32, #tpu.memory_space<vmem>>, vector<1x16xf32>,
          %get3A_108 = vector.shape_cast %get3A_107 : vector<1x16xf32> to vector<16xf32>
          %get3A_109 = arith.index_cast %scan3A_78 : i32 to index
          %get3A_110 = arith.constant 32 : index
          %get3A_111 = tpu.vector_load %arg12[%get3A_109, %get3A_110] {strides = array<i32>} : memref<128x128xf32, #tpu.memory_space<vmem>>, vector<1x16xf32>,
          %get3A_112 = vector.shape_cast %get3A_111 : vector<1x16xf32> to vector<16xf32>
          %add3A_113 = arith.addf %get3A_108, %get3A_112 : vector<16xf32>
          %swap3A_114 = arith.index_cast %scan3A_78 : i32 to index
          %swap3A_115 = arith.constant 32 : index
          %swap3A_116 = tpu.vector_load %arg15[%swap3A_114, %swap3A_115] {strides = array<i32>} : memref<128x128xf32, #tpu.memory_space<vmem>>, vector<1x16xf32>,
          %swap3A_117 = vector.shape_cast %swap3A_116 : vector<1x16xf32> to vector<16xf32>
          %swap3A_118 = vector.shape_cast %add3A_113 : vector<16xf32> to vector<1x16xf32>
          tpu.vector_store %arg15[%swap3A_114, %swap3A_115], %swap3A_118 {strides = array<i32>} : memref<128x128xf32, #tpu.memory_space<vmem>>, vector<1x16xf32>,
          %get3A_119 = arith.index_cast %scan3A_78 : i32 to index
          %get3A_120 = arith.constant 48 : index
          %get3A_121 = tpu.vector_load %arg11[%get3A_119, %get3A_120] {strides = array<i32>} : memref<128x128xf32, #tpu.memory_space<vmem>>, vector<1x16xf32>,
          %get3A_122 = vector.shape_cast %get3A_121 : vector<1x16xf32> to vector<16xf32>
          %get3A_123 = arith.index_cast %scan3A_78 : i32 to index
          %get3A_124 = arith.constant 48 : index
          %get3A_125 = tpu.vector_load %arg12[%get3A_123, %get3A_124] {strides = array<i32>} : memref<128x128xf32, #tpu.memory_space<vmem>>, vector<1x16xf32>,
          %get3A_126 = vector.shape_cast %get3A_125 : vector<1x16xf32> to vector<16xf32>
          %add3A_127 = arith.addf %get3A_122, %get3A_126 : vector<16xf32>
          %swap3A_128 = arith.index_cast %scan3A_78 : i32 to index
          %swap3A_129 = arith.constant 48 : index
          %swap3A_130 = tpu.vector_load %arg15[%swap3A_128, %swap3A_129] {strides = array<i32>} : memref<128x128xf32, #tpu.memory_space<vmem>>, vector<1x16xf32>,
          %swap3A_131 = vector.shape_cast %swap3A_130 : vector<1x16xf32> to vector<16xf32>
          %swap3A_132 = vector.shape_cast %add3A_127 : vector<16xf32> to vector<1x16xf32>
          tpu.vector_store %arg15[%swap3A_128, %swap3A_129], %swap3A_132 {strides = array<i32>} : memref<128x128xf32, #tpu.memory_space<vmem>>, vector<1x16xf32>,
          %get3A_133 = arith.index_cast %scan3A_78 : i32 to index
          %get3A_134 = arith.constant 64 : index
          %get3A_135 = tpu.vector_load %arg11[%get3A_133, %get3A_134] {strides = array<i32>} : memref<128x128xf32, #tpu.memory_space<vmem>>, vector<1x16xf32>,
          %get3A_136 = vector.shape_cast %get3A_135 : vector<1x16xf32> to vector<16xf32>
          %get3A_137 = arith.index_cast %scan3A_78 : i32 to index
          %get3A_138 = arith.constant 64 : index
          %get3A_139 = tpu.vector_load %arg12[%get3A_137, %get3A_138] {strides = array<i32>} : memref<128x128xf32, #tpu.memory_space<vmem>>, vector<1x16xf32>,
          %get3A_140 = vector.shape_cast %get3A_139 : vector<1x16xf32> to vector<16xf32>
          %add3A_141 = arith.addf %get3A_136, %get3A_140 : vector<16xf32>
          %swap3A_142 = arith.index_cast %scan3A_78 : i32 to index
          %swap3A_143 = arith.constant 64 : index
          %swap3A_144 = tpu.vector_load %arg15[%swap3A_142, %swap3A_143] {strides = array<i32>} : memref<128x128xf32, #tpu.memory_space<vmem>>, vector<1x16xf32>,
          %swap3A_145 = vector.shape_cast %swap3A_144 : vector<1x16xf32> to vector<16xf32>
          %swap3A_146 = vector.shape_cast %add3A_141 : vector<16xf32> to vector<1x16xf32>
          tpu.vector_store %arg15[%swap3A_142, %swap3A_143], %swap3A_146 {strides = array<i32>} : memref<128x128xf32, #tpu.memory_space<vmem>>, vector<1x16xf32>,
          %get3A_147 = arith.index_cast %scan3A_78 : i32 to index
          %get3A_148 = arith.constant 80 : index
          %get3A_149 = tpu.vector_load %arg11[%get3A_147, %get3A_148] {strides = array<i32>} : memref<128x128xf32, #tpu.memory_space<vmem>>, vector<1x16xf32>,
          %get3A_150 = vector.shape_cast %get3A_149 : vector<1x16xf32> to vector<16xf32>
          %get3A_151 = arith.index_cast %scan3A_78 : i32 to index
          %get3A_152 = arith.constant 80 : index
          %get3A_153 = tpu.vector_load %arg12[%get3A_151, %get3A_152] {strides = array<i32>} : memref<128x128xf32, #tpu.memory_space<vmem>>, vector<1x16xf32>,
          %get3A_154 = vector.shape_cast %get3A_153 : vector<1x16xf32> to vector<16xf32>
          %add3A_155 = arith.addf %get3A_150, %get3A_154 : vector<16xf32>
          %swap3A_156 = arith.index_cast %scan3A_78 : i32 to index
          %swap3A_157 = arith.constant 80 : index
          %swap3A_158 = tpu.vector_load %arg15[%swap3A_156, %swap3A_157] {strides = array<i32>} : memref<128x128xf32, #tpu.memory_space<vmem>>, vector<1x16xf32>,
          %swap3A_159 = vector.shape_cast %swap3A_158 : vector<1x16xf32> to vector<16xf32>
          %swap3A_160 = vector.shape_cast %add3A_155 : vector<16xf32> to vector<1x16xf32>
          tpu.vector_store %arg15[%swap3A_156, %swap3A_157], %swap3A_160 {strides = array<i32>} : memref<128x128xf32, #tpu.memory_space<vmem>>, vector<1x16xf32>,
          %get3A_161 = arith.index_cast %scan3A_78 : i32 to index
          %get3A_162 = arith.constant 96 : index
          %get3A_163 = tpu.vector_load %arg11[%get3A_161, %get3A_162] {strides = array<i32>} : memref<128x128xf32, #tpu.memory_space<vmem>>, vector<1x16xf32>,
          %get3A_164 = vector.shape_cast %get3A_163 : vector<1x16xf32> to vector<16xf32>
          %get3A_165 = arith.index_cast %scan3A_78 : i32 to index
          %get3A_166 = arith.constant 96 : index
          %get3A_167 = tpu.vector_load %arg12[%get3A_165, %get3A_166] {strides = array<i32>} : memref<128x128xf32, #tpu.memory_space<vmem>>, vector<1x16xf32>,
          %get3A_168 = vector.shape_cast %get3A_167 : vector<1x16xf32> to vector<16xf32>
          %add3A_169 = arith.addf %get3A_164, %get3A_168 : vector<16xf32>
          %swap3A_170 = arith.index_cast %scan3A_78 : i32 to index
          %swap3A_171 = arith.constant 96 : index
          %swap3A_172 = tpu.vector_load %arg15[%swap3A_170, %swap3A_171] {strides = array<i32>} : memref<128x128xf32, #tpu.memory_space<vmem>>, vector<1x16xf32>,
          %swap3A_173 = vector.shape_cast %swap3A_172 : vector<1x16xf32> to vector<16xf32>
          %swap3A_174 = vector.shape_cast %add3A_169 : vector<16xf32> to vector<1x16xf32>
          tpu.vector_store %arg15[%swap3A_170, %swap3A_171], %swap3A_174 {strides = array<i32>} : memref<128x128xf32, #tpu.memory_space<vmem>>, vector<1x16xf32>,
          %get3A_175 = arith.index_cast %scan3A_78 : i32 to index
          %get3A_176 = arith.constant 112 : index
          %get3A_177 = tpu.vector_load %arg11[%get3A_175, %get3A_176] {strides = array<i32>} : memref<128x128xf32, #tpu.memory_space<vmem>>, vector<1x16xf32>,
          %get3A_178 = vector.shape_cast %get3A_177 : vector<1x16xf32> to vector<16xf32>
          %get3A_179 = arith.index_cast %scan3A_78 : i32 to index
          %get3A_180 = arith.constant 112 : index
          %get3A_181 = tpu.vector_load %arg12[%get3A_179, %get3A_180] {strides = array<i32>} : memref<128x128xf32, #tpu.memory_space<vmem>>, vector<1x16xf32>,
          %get3A_182 = vector.shape_cast %get3A_181 : vector<1x16xf32> to vector<16xf32>
          %add3A_183 = arith.addf %get3A_178, %get3A_182 : vector<16xf32>
          %swap3A_184 = arith.index_cast %scan3A_78 : i32 to index
          %swap3A_185 = arith.constant 112 : index
          %swap3A_186 = tpu.vector_load %arg15[%swap3A_184, %swap3A_185] {strides = array<i32>} : memref<128x128xf32, #tpu.memory_space<vmem>>, vector<1x16xf32>,
          %swap3A_187 = vector.shape_cast %swap3A_186 : vector<1x16xf32> to vector<16xf32>
          %swap3A_188 = vector.shape_cast %add3A_183 : vector<16xf32> to vector<1x16xf32>
          tpu.vector_store %arg15[%swap3A_184, %swap3A_185], %swap3A_188 {strides = array<i32>} : memref<128x128xf32, #tpu.memory_space<vmem>>, vector<1x16xf32>,
        }
        %scan3A_68 = arith.constant 128 : i32
        %mul3A_69 = arith.constant 32 : i32
        %mul3A_70 = arith.muli %mul3A_30, %mul3A_69 : i32
        %add3A_71 = arith.addi %add3A, %mul3A_70 : i32
        %mul3A_72 = arith.constant 128 : i32
        %mul3A_73 = arith.muli %add3A_71, %mul3A_72 : i32
        %dma_start3A_74 = arith.constant 0 : i32
        %dma_start3A_75 = tpu.memref_slice %arg6[%mul3A_73, %dma_start3A_74] : memref<320000x128xf32, #tpu.memory_space<hbm>> -> memref<128x128xf32, #tpu.memory_space<hbm>>
        %dma_start3A_76 = arith.constant 0 : i32
        %dma_start3A_77 = tpu.memref_slice %arg6[%mul3A_73, %dma_start3A_76] : memref<320000x128xf32, #tpu.memory_space<hbm>> -> memref<128x128xf32, #tpu.memory_space<hbm>>
        tpu.enqueue_dma source(%arg15 : memref<128x128xf32, #tpu.memory_space<vmem>>) target(%dma_start3A_77 : memref<128x128xf32, #tpu.memory_space<hbm>>) target_semaphore(%arg19 : memref<!tpu.dma_semaphore, #tpu.memory_space<semaphore_mem>>)
      } else {
      }
      %lt3A_45 = arith.cmpi slt, %add3A_38, %add3A_4 : i32
      %convert_element_type3A_46 = arith.extui %lt3A_45 : i1 to i32
      %cond3A_47 = arith.constant 0 : i32
      %cond3A_48 = arith.cmpi ne, %convert_element_type3A_46, %cond3A_47 : i32
      scf.if %cond3A_48 {
        %mul3A_53 = arith.constant 32 : i32
        %mul3A_54 = arith.muli %add3A_38, %mul3A_53 : i32
        %add3A_55 = arith.addi %add3A, %mul3A_54 : i32
        "tpu.region"() ({
          %run_scoped3A = tpu.sem_alloc : memref<!tpu.dma_semaphore, #tpu.memory_space<semaphore_mem>>
          %dma_start3A_62 = arith.constant 0 : i32
          %dma_start3A_63 = tpu.memref_slice %arg4[%add3A_55, %dma_start3A_62] : memref<2500x128xi32, #tpu.memory_space<hbm>> -> memref<1x128xi32, #tpu.memory_space<hbm>>
          %dma_start3A_64 = tpu.memref_squeeze %dma_start3A_63 : memref<1x128xi32, #tpu.memory_space<hbm>> -> memref<128xi32, #tpu.memory_space<hbm>>
          %dma_start3A_65 = arith.constant 0 : i32
          %dma_start3A_66 = tpu.memref_slice %arg4[%add3A_55, %dma_start3A_65] : memref<2500x128xi32, #tpu.memory_space<hbm>> -> memref<1x128xi32, #tpu.memory_space<hbm>>
          %dma_start3A_67 = tpu.memref_squeeze %dma_start3A_66 : memref<1x128xi32, #tpu.memory_space<hbm>> -> memref<128xi32, #tpu.memory_space<hbm>>
          tpu.enqueue_dma source(%dma_start3A_67 : memref<128xi32, #tpu.memory_space<hbm>>) target(%arg7 : memref<128xi32, #tpu.memory_space<vmem>>) target_semaphore(%run_scoped3A : memref<!tpu.dma_semaphore, #tpu.memory_space<semaphore_mem>>)
          %dma_wait3A_68 = arith.constant 0 : i32
          %dma_wait3A_69 = tpu.memref_slice %arg4[%add3A_55, %dma_wait3A_68] : memref<2500x128xi32, #tpu.memory_space<hbm>> -> memref<1x128xi32, #tpu.memory_space<hbm>>
          %dma_wait3A_70 = tpu.memref_squeeze %dma_wait3A_69 : memref<1x128xi32, #tpu.memory_space<hbm>> -> memref<128xi32, #tpu.memory_space<hbm>>
          %dma_wait3A_71 = arith.constant 0 : i32
          %dma_wait3A_72 = tpu.memref_slice %arg4[%add3A_55, %dma_wait3A_71] : memref<2500x128xi32, #tpu.memory_space<hbm>> -> memref<1x128xi32, #tpu.memory_space<hbm>>
          %dma_wait3A_73 = tpu.memref_squeeze %dma_wait3A_72 : memref<1x128xi32, #tpu.memory_space<hbm>> -> memref<128xi32, #tpu.memory_space<hbm>>
          tpu.wait_dma2 semaphore(%run_scoped3A : memref<!tpu.dma_semaphore, #tpu.memory_space<semaphore_mem>>) src(%dma_wait3A_73 : memref<128xi32, #tpu.memory_space<hbm>>) dst(%arg7 : memref<128xi32, #tpu.memory_space<vmem>>)
          tpu.yield
        }) : () -> ()
        "tpu.region"() ({
          %run_scoped3A = tpu.sem_alloc : memref<!tpu.dma_semaphore, #tpu.memory_space<semaphore_mem>>
          %dma_start3A_62 = arith.constant 0 : i32
          %dma_start3A_63 = tpu.memref_slice %arg5[%add3A_55, %dma_start3A_62] : memref<2500x128xi32, #tpu.memory_space<hbm>> -> memref<1x128xi32, #tpu.memory_space<hbm>>
          %dma_start3A_64 = tpu.memref_squeeze %dma_start3A_63 : memref<1x128xi32, #tpu.memory_space<hbm>> -> memref<128xi32, #tpu.memory_space<hbm>>
          %dma_start3A_65 = arith.constant 0 : i32
          %dma_start3A_66 = tpu.memref_slice %arg5[%add3A_55, %dma_start3A_65] : memref<2500x128xi32, #tpu.memory_space<hbm>> -> memref<1x128xi32, #tpu.memory_space<hbm>>
          %dma_start3A_67 = tpu.memref_squeeze %dma_start3A_66 : memref<1x128xi32, #tpu.memory_space<hbm>> -> memref<128xi32, #tpu.memory_space<hbm>>
          tpu.enqueue_dma source(%dma_start3A_67 : memref<128xi32, #tpu.memory_space<hbm>>) target(%arg8 : memref<128xi32, #tpu.memory_space<vmem>>) target_semaphore(%run_scoped3A : memref<!tpu.dma_semaphore, #tpu.memory_space<semaphore_mem>>)
          %dma_wait3A_68 = arith.constant 0 : i32
          %dma_wait3A_69 = tpu.memref_slice %arg5[%add3A_55, %dma_wait3A_68] : memref<2500x128xi32, #tpu.memory_space<hbm>> -> memref<1x128xi32, #tpu.memory_space<hbm>>
          %dma_wait3A_70 = tpu.memref_squeeze %dma_wait3A_69 : memref<1x128xi32, #tpu.memory_space<hbm>> -> memref<128xi32, #tpu.memory_space<hbm>>
          %dma_wait3A_71 = arith.constant 0 : i32
          %dma_wait3A_72 = tpu.memref_slice %arg5[%add3A_55, %dma_wait3A_71] : memref<2500x128xi32, #tpu.memory_space<hbm>> -> memref<1x128xi32, #tpu.memory_space<hbm>>
          %dma_wait3A_73 = tpu.memref_squeeze %dma_wait3A_72 : memref<1x128xi32, #tpu.memory_space<hbm>> -> memref<128xi32, #tpu.memory_space<hbm>>
          tpu.wait_dma2 semaphore(%run_scoped3A : memref<!tpu.dma_semaphore, #tpu.memory_space<semaphore_mem>>) src(%dma_wait3A_73 : memref<128xi32, #tpu.memory_space<hbm>>) dst(%arg8 : memref<128xi32, #tpu.memory_space<vmem>>)
          tpu.yield
        }) : () -> ()
        %dma_start3A_56 = arith.constant 0 : i32
        %dma_start3A_57 = arith.constant 0 : i32
        %dma_start3A_58 = tpu.memref_slice %arg2[%dma_start3A_56, %dma_start3A_57] : memref<10000x128xf32, #tpu.memory_space<hbm>> -> memref<10000x128xf32, #tpu.memory_space<hbm>>
        tpu.enqueue_indirect_dma source(%dma_start3A_58 : memref<10000x128xf32, #tpu.memory_space<hbm>>) target(%arg11 : memref<128x128xf32, #tpu.memory_space<vmem>>) offsets(%arg7 : memref<128xi32, #tpu.memory_space<vmem>>) semaphore(%arg17 : memref<!tpu.dma_semaphore, #tpu.memory_space<semaphore_mem>>)
        %dma_start3A_59 = arith.constant 0 : i32
        %dma_start3A_60 = arith.constant 0 : i32
        %dma_start3A_61 = tpu.memref_slice %arg3[%dma_start3A_59, %dma_start3A_60] : memref<10000x128xf32, #tpu.memory_space<hbm>> -> memref<10000x128xf32, #tpu.memory_space<hbm>>
        tpu.enqueue_indirect_dma source(%dma_start3A_61 : memref<10000x128xf32, #tpu.memory_space<hbm>>) target(%arg12 : memref<128x128xf32, #tpu.memory_space<vmem>>) offsets(%arg8 : memref<128xi32, #tpu.memory_space<vmem>>) semaphore(%arg17 : memref<!tpu.dma_semaphore, #tpu.memory_space<semaphore_mem>>)
      } else {
      }
      %lt3A_49 = arith.cmpi slt, %add3A_34, %add3A_4 : i32
      %convert_element_type3A_50 = arith.extui %lt3A_49 : i1 to i32
      %cond3A_51 = arith.constant 0 : i32
      %cond3A_52 = arith.cmpi ne, %convert_element_type3A_50, %cond3A_51 : i32
      scf.if %cond3A_52 {
        %dma_wait3A_53 = arith.constant 0 : i32
        %dma_wait3A_54 = arith.constant 0 : i32
        %dma_wait3A_55 = tpu.memref_slice %arg2[%dma_wait3A_53, %dma_wait3A_54] : memref<10000x128xf32, #tpu.memory_space<hbm>> -> memref<10000x128xf32, #tpu.memory_space<hbm>>
        tpu.wait_indirect_dma semaphore(%arg18 : memref<!tpu.dma_semaphore, #tpu.memory_space<semaphore_mem>>) src(%dma_wait3A_55 : memref<10000x128xf32, #tpu.memory_space<hbm>>) dst(%arg13 : memref<128x128xf32, #tpu.memory_space<vmem>>)
        %dma_wait3A_56 = arith.constant 0 : i32
        %dma_wait3A_57 = arith.constant 0 : i32
        %dma_wait3A_58 = tpu.memref_slice %arg3[%dma_wait3A_56, %dma_wait3A_57] : memref<10000x128xf32, #tpu.memory_space<hbm>> -> memref<10000x128xf32, #tpu.memory_space<hbm>>
        tpu.wait_indirect_dma semaphore(%arg18 : memref<!tpu.dma_semaphore, #tpu.memory_space<semaphore_mem>>) src(%dma_wait3A_58 : memref<10000x128xf32, #tpu.memory_space<hbm>>) dst(%arg14 : memref<128x128xf32, #tpu.memory_space<vmem>>)
        %ge3A = arith.constant 2 : i32
        %ge3A_59 = arith.cmpi sge, %add3A_34, %ge3A : i32
        %convert_element_type3A_60 = arith.extui %ge3A_59 : i1 to i32
        %cond3A_61 = arith.constant 0 : i32
        %cond3A_62 = arith.cmpi ne, %convert_element_type3A_60, %cond3A_61 : i32
        scf.if %cond3A_62 {
          %dma_wait3A_78 = arith.constant 0 : i32
          %dma_wait3A_79 = arith.constant 0 : i32
          %dma_wait3A_80 = tpu.memref_slice %arg6[%dma_wait3A_78, %dma_wait3A_79] : memref<320000x128xf32, #tpu.memory_space<hbm>> -> memref<128x128xf32, #tpu.memory_space<hbm>>
          %dma_wait3A_81 = arith.constant 0 : i32
          %dma_wait3A_82 = arith.constant 0 : i32
          %dma_wait3A_83 = tpu.memref_slice %arg6[%dma_wait3A_81, %dma_wait3A_82] : memref<320000x128xf32, #tpu.memory_space<hbm>> -> memref<128x128xf32, #tpu.memory_space<hbm>>
          tpu.wait_dma2 semaphore(%arg20 : memref<!tpu.dma_semaphore, #tpu.memory_space<semaphore_mem>>) src(%arg16 : memref<128x128xf32, #tpu.memory_space<vmem>>) dst(%dma_wait3A_83 : memref<128x128xf32, #tpu.memory_space<hbm>>)
        } else {
        }
        %scan3A_63 = arith.constant 0 : i32
        %scan3A_64 = arith.constant 0 : i32
        %scan3A_65 = arith.constant 128 : i32
        %scan3A_66 = arith.addi %scan3A_64, %scan3A_65 : i32
        %scan3A_67 = arith.constant 1 : i32
        scf.for %scan3A_78 = %scan3A_64 to %scan3A_66 step %scan3A_67  : i32 {
          %get3A = arith.index_cast %scan3A_78 : i32 to index
          %get3A_79 = arith.constant 0 : index
          %get3A_80 = tpu.vector_load %arg13[%get3A, %get3A_79] {strides = array<i32>} : memref<128x128xf32, #tpu.memory_space<vmem>>, vector<1x16xf32>,
          %get3A_81 = vector.shape_cast %get3A_80 : vector<1x16xf32> to vector<16xf32>
          %get3A_82 = arith.index_cast %scan3A_78 : i32 to index
          %get3A_83 = arith.constant 0 : index
          %get3A_84 = tpu.vector_load %arg14[%get3A_82, %get3A_83] {strides = array<i32>} : memref<128x128xf32, #tpu.memory_space<vmem>>, vector<1x16xf32>,
          %get3A_85 = vector.shape_cast %get3A_84 : vector<1x16xf32> to vector<16xf32>
          %add3A_86 = arith.addf %get3A_81, %get3A_85 : vector<16xf32>
          %swap3A = arith.index_cast %scan3A_78 : i32 to index
          %swap3A_87 = arith.constant 0 : index
          %swap3A_88 = tpu.vector_load %arg16[%swap3A, %swap3A_87] {strides = array<i32>} : memref<128x128xf32, #tpu.memory_space<vmem>>, vector<1x16xf32>,
          %swap3A_89 = vector.shape_cast %swap3A_88 : vector<1x16xf32> to vector<16xf32>
          %swap3A_90 = vector.shape_cast %add3A_86 : vector<16xf32> to vector<1x16xf32>
          tpu.vector_store %arg16[%swap3A, %swap3A_87], %swap3A_90 {strides = array<i32>} : memref<128x128xf32, #tpu.memory_space<vmem>>, vector<1x16xf32>,
          %get3A_91 = arith.index_cast %scan3A_78 : i32 to index
          %get3A_92 = arith.constant 16 : index
          %get3A_93 = tpu.vector_load %arg13[%get3A_91, %get3A_92] {strides = array<i32>} : memref<128x128xf32, #tpu.memory_space<vmem>>, vector<1x16xf32>,
          %get3A_94 = vector.shape_cast %get3A_93 : vector<1x16xf32> to vector<16xf32>
          %get3A_95 = arith.index_cast %scan3A_78 : i32 to index
          %get3A_96 = arith.constant 16 : index
          %get3A_97 = tpu.vector_load %arg14[%get3A_95, %get3A_96] {strides = array<i32>} : memref<128x128xf32, #tpu.memory_space<vmem>>, vector<1x16xf32>,
          %get3A_98 = vector.shape_cast %get3A_97 : vector<1x16xf32> to vector<16xf32>
          %add3A_99 = arith.addf %get3A_94, %get3A_98 : vector<16xf32>
          %swap3A_100 = arith.index_cast %scan3A_78 : i32 to index
          %swap3A_101 = arith.constant 16 : index
          %swap3A_102 = tpu.vector_load %arg16[%swap3A_100, %swap3A_101] {strides = array<i32>} : memref<128x128xf32, #tpu.memory_space<vmem>>, vector<1x16xf32>,
          %swap3A_103 = vector.shape_cast %swap3A_102 : vector<1x16xf32> to vector<16xf32>
          %swap3A_104 = vector.shape_cast %add3A_99 : vector<16xf32> to vector<1x16xf32>
          tpu.vector_store %arg16[%swap3A_100, %swap3A_101], %swap3A_104 {strides = array<i32>} : memref<128x128xf32, #tpu.memory_space<vmem>>, vector<1x16xf32>,
          %get3A_105 = arith.index_cast %scan3A_78 : i32 to index
          %get3A_106 = arith.constant 32 : index
          %get3A_107 = tpu.vector_load %arg13[%get3A_105, %get3A_106] {strides = array<i32>} : memref<128x128xf32, #tpu.memory_space<vmem>>, vector<1x16xf32>,
          %get3A_108 = vector.shape_cast %get3A_107 : vector<1x16xf32> to vector<16xf32>
          %get3A_109 = arith.index_cast %scan3A_78 : i32 to index
          %get3A_110 = arith.constant 32 : index
          %get3A_111 = tpu.vector_load %arg14[%get3A_109, %get3A_110] {strides = array<i32>} : memref<128x128xf32, #tpu.memory_space<vmem>>, vector<1x16xf32>,
          %get3A_112 = vector.shape_cast %get3A_111 : vector<1x16xf32> to vector<16xf32>
          %add3A_113 = arith.addf %get3A_108, %get3A_112 : vector<16xf32>
          %swap3A_114 = arith.index_cast %scan3A_78 : i32 to index
          %swap3A_115 = arith.constant 32 : index
          %swap3A_116 = tpu.vector_load %arg16[%swap3A_114, %swap3A_115] {strides = array<i32>} : memref<128x128xf32, #tpu.memory_space<vmem>>, vector<1x16xf32>,
          %swap3A_117 = vector.shape_cast %swap3A_116 : vector<1x16xf32> to vector<16xf32>
          %swap3A_118 = vector.shape_cast %add3A_113 : vector<16xf32> to vector<1x16xf32>
          tpu.vector_store %arg16[%swap3A_114, %swap3A_115], %swap3A_118 {strides = array<i32>} : memref<128x128xf32, #tpu.memory_space<vmem>>, vector<1x16xf32>,
          %get3A_119 = arith.index_cast %scan3A_78 : i32 to index
          %get3A_120 = arith.constant 48 : index
          %get3A_121 = tpu.vector_load %arg13[%get3A_119, %get3A_120] {strides = array<i32>} : memref<128x128xf32, #tpu.memory_space<vmem>>, vector<1x16xf32>,
          %get3A_122 = vector.shape_cast %get3A_121 : vector<1x16xf32> to vector<16xf32>
          %get3A_123 = arith.index_cast %scan3A_78 : i32 to index
          %get3A_124 = arith.constant 48 : index
          %get3A_125 = tpu.vector_load %arg14[%get3A_123, %get3A_124] {strides = array<i32>} : memref<128x128xf32, #tpu.memory_space<vmem>>, vector<1x16xf32>,
          %get3A_126 = vector.shape_cast %get3A_125 : vector<1x16xf32> to vector<16xf32>
          %add3A_127 = arith.addf %get3A_122, %get3A_126 : vector<16xf32>
          %swap3A_128 = arith.index_cast %scan3A_78 : i32 to index
          %swap3A_129 = arith.constant 48 : index
          %swap3A_130 = tpu.vector_load %arg16[%swap3A_128, %swap3A_129] {strides = array<i32>} : memref<128x128xf32, #tpu.memory_space<vmem>>, vector<1x16xf32>,
          %swap3A_131 = vector.shape_cast %swap3A_130 : vector<1x16xf32> to vector<16xf32>
          %swap3A_132 = vector.shape_cast %add3A_127 : vector<16xf32> to vector<1x16xf32>
          tpu.vector_store %arg16[%swap3A_128, %swap3A_129], %swap3A_132 {strides = array<i32>} : memref<128x128xf32, #tpu.memory_space<vmem>>, vector<1x16xf32>,
          %get3A_133 = arith.index_cast %scan3A_78 : i32 to index
          %get3A_134 = arith.constant 64 : index
          %get3A_135 = tpu.vector_load %arg13[%get3A_133, %get3A_134] {strides = array<i32>} : memref<128x128xf32, #tpu.memory_space<vmem>>, vector<1x16xf32>,
          %get3A_136 = vector.shape_cast %get3A_135 : vector<1x16xf32> to vector<16xf32>
          %get3A_137 = arith.index_cast %scan3A_78 : i32 to index
          %get3A_138 = arith.constant 64 : index
          %get3A_139 = tpu.vector_load %arg14[%get3A_137, %get3A_138] {strides = array<i32>} : memref<128x128xf32, #tpu.memory_space<vmem>>, vector<1x16xf32>,
          %get3A_140 = vector.shape_cast %get3A_139 : vector<1x16xf32> to vector<16xf32>
          %add3A_141 = arith.addf %get3A_136, %get3A_140 : vector<16xf32>
          %swap3A_142 = arith.index_cast %scan3A_78 : i32 to index
          %swap3A_143 = arith.constant 64 : index
          %swap3A_144 = tpu.vector_load %arg16[%swap3A_142, %swap3A_143] {strides = array<i32>} : memref<128x128xf32, #tpu.memory_space<vmem>>, vector<1x16xf32>,
          %swap3A_145 = vector.shape_cast %swap3A_144 : vector<1x16xf32> to vector<16xf32>
          %swap3A_146 = vector.shape_cast %add3A_141 : vector<16xf32> to vector<1x16xf32>
          tpu.vector_store %arg16[%swap3A_142, %swap3A_143], %swap3A_146 {strides = array<i32>} : memref<128x128xf32, #tpu.memory_space<vmem>>, vector<1x16xf32>,
          %get3A_147 = arith.index_cast %scan3A_78 : i32 to index
          %get3A_148 = arith.constant 80 : index
          %get3A_149 = tpu.vector_load %arg13[%get3A_147, %get3A_148] {strides = array<i32>} : memref<128x128xf32, #tpu.memory_space<vmem>>, vector<1x16xf32>,
          %get3A_150 = vector.shape_cast %get3A_149 : vector<1x16xf32> to vector<16xf32>
          %get3A_151 = arith.index_cast %scan3A_78 : i32 to index
          %get3A_152 = arith.constant 80 : index
          %get3A_153 = tpu.vector_load %arg14[%get3A_151, %get3A_152] {strides = array<i32>} : memref<128x128xf32, #tpu.memory_space<vmem>>, vector<1x16xf32>,
          %get3A_154 = vector.shape_cast %get3A_153 : vector<1x16xf32> to vector<16xf32>
          %add3A_155 = arith.addf %get3A_150, %get3A_154 : vector<16xf32>
          %swap3A_156 = arith.index_cast %scan3A_78 : i32 to index
          %swap3A_157 = arith.constant 80 : index
          %swap3A_158 = tpu.vector_load %arg16[%swap3A_156, %swap3A_157] {strides = array<i32>} : memref<128x128xf32, #tpu.memory_space<vmem>>, vector<1x16xf32>,
          %swap3A_159 = vector.shape_cast %swap3A_158 : vector<1x16xf32> to vector<16xf32>
          %swap3A_160 = vector.shape_cast %add3A_155 : vector<16xf32> to vector<1x16xf32>
          tpu.vector_store %arg16[%swap3A_156, %swap3A_157], %swap3A_160 {strides = array<i32>} : memref<128x128xf32, #tpu.memory_space<vmem>>, vector<1x16xf32>,
          %get3A_161 = arith.index_cast %scan3A_78 : i32 to index
          %get3A_162 = arith.constant 96 : index
          %get3A_163 = tpu.vector_load %arg13[%get3A_161, %get3A_162] {strides = array<i32>} : memref<128x128xf32, #tpu.memory_space<vmem>>, vector<1x16xf32>,
          %get3A_164 = vector.shape_cast %get3A_163 : vector<1x16xf32> to vector<16xf32>
          %get3A_165 = arith.index_cast %scan3A_78 : i32 to index
          %get3A_166 = arith.constant 96 : index
          %get3A_167 = tpu.vector_load %arg14[%get3A_165, %get3A_166] {strides = array<i32>} : memref<128x128xf32, #tpu.memory_space<vmem>>, vector<1x16xf32>,
          %get3A_168 = vector.shape_cast %get3A_167 : vector<1x16xf32> to vector<16xf32>
          %add3A_169 = arith.addf %get3A_164, %get3A_168 : vector<16xf32>
          %swap3A_170 = arith.index_cast %scan3A_78 : i32 to index
          %swap3A_171 = arith.constant 96 : index
          %swap3A_172 = tpu.vector_load %arg16[%swap3A_170, %swap3A_171] {strides = array<i32>} : memref<128x128xf32, #tpu.memory_space<vmem>>, vector<1x16xf32>,
          %swap3A_173 = vector.shape_cast %swap3A_172 : vector<1x16xf32> to vector<16xf32>
          %swap3A_174 = vector.shape_cast %add3A_169 : vector<16xf32> to vector<1x16xf32>
          tpu.vector_store %arg16[%swap3A_170, %swap3A_171], %swap3A_174 {strides = array<i32>} : memref<128x128xf32, #tpu.memory_space<vmem>>, vector<1x16xf32>,
          %get3A_175 = arith.index_cast %scan3A_78 : i32 to index
          %get3A_176 = arith.constant 112 : index
          %get3A_177 = tpu.vector_load %arg13[%get3A_175, %get3A_176] {strides = array<i32>} : memref<128x128xf32, #tpu.memory_space<vmem>>, vector<1x16xf32>,
          %get3A_178 = vector.shape_cast %get3A_177 : vector<1x16xf32> to vector<16xf32>
          %get3A_179 = arith.index_cast %scan3A_78 : i32 to index
          %get3A_180 = arith.constant 112 : index
          %get3A_181 = tpu.vector_load %arg14[%get3A_179, %get3A_180] {strides = array<i32>} : memref<128x128xf32, #tpu.memory_space<vmem>>, vector<1x16xf32>,
          %get3A_182 = vector.shape_cast %get3A_181 : vector<1x16xf32> to vector<16xf32>
          %add3A_183 = arith.addf %get3A_178, %get3A_182 : vector<16xf32>
          %swap3A_184 = arith.index_cast %scan3A_78 : i32 to index
          %swap3A_185 = arith.constant 112 : index
          %swap3A_186 = tpu.vector_load %arg16[%swap3A_184, %swap3A_185] {strides = array<i32>} : memref<128x128xf32, #tpu.memory_space<vmem>>, vector<1x16xf32>,
          %swap3A_187 = vector.shape_cast %swap3A_186 : vector<1x16xf32> to vector<16xf32>
          %swap3A_188 = vector.shape_cast %add3A_183 : vector<16xf32> to vector<1x16xf32>
          tpu.vector_store %arg16[%swap3A_184, %swap3A_185], %swap3A_188 {strides = array<i32>} : memref<128x128xf32, #tpu.memory_space<vmem>>, vector<1x16xf32>,
        }
        %scan3A_68 = arith.constant 128 : i32
        %mul3A_69 = arith.constant 32 : i32
        %mul3A_70 = arith.muli %add3A_34, %mul3A_69 : i32
        %add3A_71 = arith.addi %add3A, %mul3A_70 : i32
        %mul3A_72 = arith.constant 128 : i32
        %mul3A_73 = arith.muli %add3A_71, %mul3A_72 : i32
        %dma_start3A_74 = arith.constant 0 : i32
        %dma_start3A_75 = tpu.memref_slice %arg6[%mul3A_73, %dma_start3A_74] : memref<320000x128xf32, #tpu.memory_space<hbm>> -> memref<128x128xf32, #tpu.memory_space<hbm>>
        %dma_start3A_76 = arith.constant 0 : i32
        %dma_start3A_77 = tpu.memref_slice %arg6[%mul3A_73, %dma_start3A_76] : memref<320000x128xf32, #tpu.memory_space<hbm>> -> memref<128x128xf32, #tpu.memory_space<hbm>>
        tpu.enqueue_dma source(%arg16 : memref<128x128xf32, #tpu.memory_space<vmem>>) target(%dma_start3A_77 : memref<128x128xf32, #tpu.memory_space<hbm>>) target_semaphore(%arg20 : memref<!tpu.dma_semaphore, #tpu.memory_space<semaphore_mem>>)
      } else {
      }
    }
    %scan3A_16 = arith.constant 40 : i32
    %dma_wait3A = arith.constant 0 : i32
    %dma_wait3A_17 = arith.constant 0 : i32
    %dma_wait3A_18 = tpu.memref_slice %arg6[%dma_wait3A, %dma_wait3A_17] : memref<320000x128xf32, #tpu.memory_space<hbm>> -> memref<128x128xf32, #tpu.memory_space<hbm>>
    %dma_wait3A_19 = arith.constant 0 : i32
    %dma_wait3A_20 = arith.constant 0 : i32
    %dma_wait3A_21 = tpu.memref_slice %arg6[%dma_wait3A_19, %dma_wait3A_20] : memref<320000x128xf32, #tpu.memory_space<hbm>> -> memref<128x128xf32, #tpu.memory_space<hbm>>
    tpu.wait_dma2 semaphore(%arg19 : memref<!tpu.dma_semaphore, #tpu.memory_space<semaphore_mem>>) src(%arg15 : memref<128x128xf32, #tpu.memory_space<vmem>>) dst(%dma_wait3A_21 : memref<128x128xf32, #tpu.memory_space<hbm>>)
    %dma_wait3A_22 = arith.constant 0 : i32
    %dma_wait3A_23 = arith.constant 0 : i32
    %dma_wait3A_24 = tpu.memref_slice %arg6[%dma_wait3A_22, %dma_wait3A_23] : memref<320000x128xf32, #tpu.memory_space<hbm>> -> memref<128x128xf32, #tpu.memory_space<hbm>>
    %dma_wait3A_25 = arith.constant 0 : i32
    %dma_wait3A_26 = arith.constant 0 : i32
    %dma_wait3A_27 = tpu.memref_slice %arg6[%dma_wait3A_25, %dma_wait3A_26] : memref<320000x128xf32, #tpu.memory_space<hbm>> -> memref<128x128xf32, #tpu.memory_space<hbm>>
    tpu.wait_dma2 semaphore(%arg20 : memref<!tpu.dma_semaphore, #tpu.memory_space<semaphore_mem>>) src(%arg16 : memref<128x128xf32, #tpu.memory_space<vmem>>) dst(%dma_wait3A_27 : memref<128x128xf32, #tpu.memory_space<hbm>>)
    return
  }
}

module attributes {stable_mosaic.version = 14 : i64} {
  func.func @_proj_body(%arg0: i32, %arg1: memref<1000x128xf32, #tpu.memory_space<vmem>>, %arg2: memref<128x128xf32, #tpu.memory_space<vmem>>, %arg3: memref<128x128xf32, #tpu.memory_space<vmem>>, %arg4: memref<1000x128xf32, #tpu.memory_space<vmem>>, %arg5: memref<1000x128xf32, #tpu.memory_space<vmem>>) attributes {dimension_semantics = [#tpu.dimension_semantics<arbitrary>], iteration_bounds = array<i64: 10>, scalar_prefetch = 0 : i64, scratch_operands = 0 : i64, tpu.core_type = #tpu.core_type<tc>, window_params = [{transform_indices = @transform_0, window_bounds = array<i64: 1000, 128>}, {pipeline_mode = #tpu.pipeline_mode<synchronous>, transform_indices = @transform_1, window_bounds = array<i64: 128, 128>}, {pipeline_mode = #tpu.pipeline_mode<synchronous>, transform_indices = @transform_2, window_bounds = array<i64: 128, 128>}, {transform_indices = @transform_3, window_bounds = array<i64: 1000, 128>}, {transform_indices = @transform_4, window_bounds = array<i64: 1000, 128>}]} {
    %get3A = arith.constant 0 : index
    %get3A_0 = arith.constant 0 : index
    %get3A_1 = vector.load %arg1[%get3A, %get3A_0] : memref<1000x128xf32, #tpu.memory_space<vmem>>, vector<1000x128xf32>
    %get3A_2 = arith.constant 0 : index
    %get3A_3 = arith.constant 0 : index
    %get3A_4 = vector.load %arg2[%get3A_2, %get3A_3] : memref<128x128xf32, #tpu.memory_space<vmem>>, vector<128x128xf32>
    %dot_general3A = arith.constant dense<0.000000e+00> : vector<1000x128xf32>
    %dot_general3A_5 = tpu.matmul %get3A_1, %get3A_4, %dot_general3A {dimension_numbers = #tpu.dot_dimension_numbers<[1], [0], [0], [1], [0, 0, 1, 1], [], []>, transpose_lhs_hint = false} : vector<1000x128xf32>, vector<128x128xf32>, vector<1000x128xf32> -> vector<1000x128xf32>
    %swap3A = arith.constant 0 : index
    %swap3A_6 = arith.constant 0 : index
    %swap3A_7 = vector.load %arg4[%swap3A, %swap3A_6] : memref<1000x128xf32, #tpu.memory_space<vmem>>, vector<1000x128xf32>
    tpu.vector_store %arg4[%swap3A, %swap3A_6], %dot_general3A_5 {strides = array<i32>} : memref<1000x128xf32, #tpu.memory_space<vmem>>, vector<1000x128xf32>,
    %get3A_8 = arith.constant 0 : index
    %get3A_9 = arith.constant 0 : index
    %get3A_10 = vector.load %arg3[%get3A_8, %get3A_9] : memref<128x128xf32, #tpu.memory_space<vmem>>, vector<128x128xf32>
    %dot_general3A_11 = arith.constant dense<0.000000e+00> : vector<1000x128xf32>
    %dot_general3A_12 = tpu.matmul %get3A_1, %get3A_10, %dot_general3A_11 {dimension_numbers = #tpu.dot_dimension_numbers<[1], [0], [0], [1], [0, 0, 1, 1], [], []>, transpose_lhs_hint = false} : vector<1000x128xf32>, vector<128x128xf32>, vector<1000x128xf32> -> vector<1000x128xf32>
    %swap3A_13 = arith.constant 0 : index
    %swap3A_14 = arith.constant 0 : index
    %swap3A_15 = vector.load %arg5[%swap3A_13, %swap3A_14] : memref<1000x128xf32, #tpu.memory_space<vmem>>, vector<1000x128xf32>
    tpu.vector_store %arg5[%swap3A_13, %swap3A_14], %dot_general3A_12 {strides = array<i32>} : memref<1000x128xf32, #tpu.memory_space<vmem>>, vector<1000x128xf32>,
    return
  }
  func.func @transform_0(%arg0: i32) -> (i32, i32) {
    %c0_i32 = arith.constant 0 : i32
    %c0_i32_0 = arith.constant 0 : i32
    return %arg0, %c0_i32 : i32, i32
  }
  func.func @transform_1(%arg0: i32) -> (i32, i32) {
    %c0_i32 = arith.constant 0 : i32
    %c0_i32_0 = arith.constant 0 : i32
    %c0_i32_1 = arith.constant 0 : i32
    return %c0_i32, %c0_i32_0 : i32, i32
  }
  func.func @transform_2(%arg0: i32) -> (i32, i32) {
    %c0_i32 = arith.constant 0 : i32
    %c0_i32_0 = arith.constant 0 : i32
    %c0_i32_1 = arith.constant 0 : i32
    return %c0_i32, %c0_i32_0 : i32, i32
  }
  func.func @transform_3(%arg0: i32) -> (i32, i32) {
    %c0_i32 = arith.constant 0 : i32
    %c0_i32_0 = arith.constant 0 : i32
    return %arg0, %c0_i32 : i32, i32
  }
  func.func @transform_4(%arg0: i32) -> (i32, i32) {
    %c0_i32 = arith.constant 0 : i32
    %c0_i32_0 = arith.constant 0 : i32
    return %arg0, %c0_i32 : i32, i32
  }
}

module attributes {stable_mosaic.version = 14 : i64} {
  func.func @_edge_body(%arg0: i32, %arg1: memref<2560x128xf32, #tpu.memory_space<vmem>>, %arg2: memref<2560x16xf32, #tpu.memory_space<vmem>>, %arg3: memref<16x128xf32, #tpu.memory_space<vmem>>, %arg4: memref<1x128xf32, #tpu.memory_space<vmem>>, %arg5: memref<128x16xf32, #tpu.memory_space<vmem>>, %arg6: memref<1x16xf32, #tpu.memory_space<vmem>>, %arg7: memref<2560x16xf32, #tpu.memory_space<vmem>>, %arg8: memref<2560x16xf32, #tpu.memory_space<vmem>>) attributes {dimension_semantics = [#tpu.dimension_semantics<arbitrary>], iteration_bounds = array<i64: 125>, scalar_prefetch = 0 : i64, scratch_operands = 0 : i64, tpu.core_type = #tpu.core_type<tc>, window_params = [{transform_indices = @transform_0, window_bounds = array<i64: 2560, 128>}, {transform_indices = @transform_1, window_bounds = array<i64: 2560, 16>}, {pipeline_mode = #tpu.pipeline_mode<synchronous>, transform_indices = @transform_2, window_bounds = array<i64: 16, 128>}, {pipeline_mode = #tpu.pipeline_mode<synchronous>, transform_indices = @transform_3, window_bounds = array<i64: 1, 128>}, {pipeline_mode = #tpu.pipeline_mode<synchronous>, transform_indices = @transform_4, window_bounds = array<i64: 128, 16>}, {pipeline_mode = #tpu.pipeline_mode<synchronous>, transform_indices = @transform_5, window_bounds = array<i64: 1, 16>}, {transform_indices = @transform_6, window_bounds = array<i64: 2560, 16>}, {transform_indices = @transform_7, window_bounds = array<i64: 2560, 16>}]} {
    %get3A = arith.constant 0 : index
    %get3A_0 = arith.constant 0 : index
    %get3A_1 = vector.load %arg2[%get3A, %get3A_0] : memref<2560x16xf32, #tpu.memory_space<vmem>>, vector<2560x16xf32>
    %get3A_2 = arith.constant 0 : index
    %get3A_3 = arith.constant 0 : index
    %get3A_4 = vector.load %arg1[%get3A_2, %get3A_3] : memref<2560x128xf32, #tpu.memory_space<vmem>>, vector<2560x128xf32>
    %get3A_5 = arith.constant 0 : index
    %get3A_6 = arith.constant 0 : index
    %get3A_7 = vector.load %arg3[%get3A_5, %get3A_6] : memref<16x128xf32, #tpu.memory_space<vmem>>, vector<16x128xf32>
    %dot_general3A = arith.constant dense<0.000000e+00> : vector<2560x128xf32>
    %dot_general3A_8 = tpu.matmul %get3A_1, %get3A_7, %dot_general3A {dimension_numbers = #tpu.dot_dimension_numbers<[1], [0], [0], [1], [0, 0, 1, 1], [], []>, transpose_lhs_hint = false} : vector<2560x16xf32>, vector<16x128xf32>, vector<2560x128xf32> -> vector<2560x128xf32>
    %add3A = arith.addf %get3A_4, %dot_general3A_8 : vector<2560x128xf32>
    %get3A_9 = arith.constant 0 : index
    %get3A_10 = arith.constant 0 : index
    %get3A_11 = vector.load %arg4[%get3A_9, %get3A_10] : memref<1x128xf32, #tpu.memory_space<vmem>>, vector<1x128xf32>
    %add3A_12 = vector.broadcast %get3A_11 : vector<1x128xf32> to vector<2560x128xf32>
    %add3A_13 = arith.addf %add3A, %add3A_12 : vector<2560x128xf32>
    %mul3A = arith.constant 5.000000e-01 : f32
    %mul3A_14 = vector.broadcast %mul3A : f32 to vector<2560x128xf32>
    %mul3A_15 = arith.mulf %mul3A_14, %add3A_13 : vector<2560x128xf32>
    %mul3A_16 = arith.constant 4.471500e-02 : f32
    %mul3A_17 = vector.broadcast %mul3A_16 : f32 to vector<2560x128xf32>
    %mul3A_18 = arith.mulf %mul3A_17, %add3A_13 : vector<2560x128xf32>
    %mul3A_19 = arith.mulf %mul3A_18, %add3A_13 : vector<2560x128xf32>
    %mul3A_20 = arith.mulf %mul3A_19, %add3A_13 : vector<2560x128xf32>
    %add3A_21 = arith.addf %add3A_13, %mul3A_20 : vector<2560x128xf32>
    %mul3A_22 = arith.constant 0.797884583 : f32
    %mul3A_23 = vector.broadcast %mul3A_22 : f32 to vector<2560x128xf32>
    %mul3A_24 = arith.mulf %mul3A_23, %add3A_21 : vector<2560x128xf32>
    %tanh3A = math.tanh %mul3A_24 : vector<2560x128xf32>
    %add3A_25 = arith.constant 1.000000e+00 : f32
    %add3A_26 = vector.broadcast %add3A_25 : f32 to vector<2560x128xf32>
    %add3A_27 = arith.addf %add3A_26, %tanh3A : vector<2560x128xf32>
    %mul3A_28 = arith.mulf %mul3A_15, %add3A_27 : vector<2560x128xf32>
    %get3A_29 = arith.constant 0 : index
    %get3A_30 = arith.constant 0 : index
    %get3A_31 = vector.load %arg5[%get3A_29, %get3A_30] : memref<128x16xf32, #tpu.memory_space<vmem>>, vector<128x16xf32>
    %dot_general3A_32 = arith.constant dense<0.000000e+00> : vector<2560x16xf32>
    %dot_general3A_33 = tpu.matmul %mul3A_28, %get3A_31, %dot_general3A_32 {dimension_numbers = #tpu.dot_dimension_numbers<[1], [0], [0], [1], [0, 0, 1, 1], [], []>, transpose_lhs_hint = false} : vector<2560x128xf32>, vector<128x16xf32>, vector<2560x16xf32> -> vector<2560x16xf32>
    %get3A_34 = arith.constant 0 : index
    %get3A_35 = arith.constant 0 : index
    %get3A_36 = vector.load %arg6[%get3A_34, %get3A_35] : memref<1x16xf32, #tpu.memory_space<vmem>>, vector<1x16xf32>
    %add3A_37 = vector.broadcast %get3A_36 : vector<1x16xf32> to vector<2560x16xf32>
    %add3A_38 = arith.addf %dot_general3A_33, %add3A_37 : vector<2560x16xf32>
    %swap3A = arith.constant 0 : index
    %swap3A_39 = arith.constant 0 : index
    %swap3A_40 = vector.load %arg7[%swap3A, %swap3A_39] : memref<2560x16xf32, #tpu.memory_space<vmem>>, vector<2560x16xf32>
    tpu.vector_store %arg7[%swap3A, %swap3A_39], %add3A_38 {strides = array<i32>} : memref<2560x16xf32, #tpu.memory_space<vmem>>, vector<2560x16xf32>,
    %add3A_41 = arith.addf %get3A_1, %add3A_38 : vector<2560x16xf32>
    %swap3A_42 = arith.constant 0 : index
    %swap3A_43 = arith.constant 0 : index
    %swap3A_44 = vector.load %arg8[%swap3A_42, %swap3A_43] : memref<2560x16xf32, #tpu.memory_space<vmem>>, vector<2560x16xf32>
    tpu.vector_store %arg8[%swap3A_42, %swap3A_43], %add3A_41 {strides = array<i32>} : memref<2560x16xf32, #tpu.memory_space<vmem>>, vector<2560x16xf32>,
    return
  }
  func.func @transform_0(%arg0: i32) -> (i32, i32) {
    %c0_i32 = arith.constant 0 : i32
    %c0_i32_0 = arith.constant 0 : i32
    return %arg0, %c0_i32 : i32, i32
  }
  func.func @transform_1(%arg0: i32) -> (i32, i32) {
    %c0_i32 = arith.constant 0 : i32
    %c0_i32_0 = arith.constant 0 : i32
    return %arg0, %c0_i32 : i32, i32
  }
  func.func @transform_2(%arg0: i32) -> (i32, i32) {
    %c0_i32 = arith.constant 0 : i32
    %c0_i32_0 = arith.constant 0 : i32
    %c0_i32_1 = arith.constant 0 : i32
    return %c0_i32, %c0_i32_0 : i32, i32
  }
  func.func @transform_3(%arg0: i32) -> (i32, i32) {
    %c0_i32 = arith.constant 0 : i32
    %c0_i32_0 = arith.constant 0 : i32
    %c0_i32_1 = arith.constant 0 : i32
    return %c0_i32, %c0_i32_0 : i32, i32
  }
  func.func @transform_4(%arg0: i32) -> (i32, i32) {
    %c0_i32 = arith.constant 0 : i32
    %c0_i32_0 = arith.constant 0 : i32
    %c0_i32_1 = arith.constant 0 : i32
    return %c0_i32, %c0_i32_0 : i32, i32
  }
  func.func @transform_5(%arg0: i32) -> (i32, i32) {
    %c0_i32 = arith.constant 0 : i32
    %c0_i32_0 = arith.constant 0 : i32
    %c0_i32_1 = arith.constant 0 : i32
    return %c0_i32, %c0_i32_0 : i32, i32
  }
  func.func @transform_6(%arg0: i32) -> (i32, i32) {
    %c0_i32 = arith.constant 0 : i32
    %c0_i32_0 = arith.constant 0 : i32
    return %arg0, %c0_i32 : i32, i32
  }
  func.func @transform_7(%arg0: i32) -> (i32, i32) {
    %c0_i32 = arith.constant 0 : i32
    %c0_i32_0 = arith.constant 0 : i32
    return %arg0, %c0_i32 : i32, i32
  }
}

module attributes {stable_mosaic.version = 14 : i64} {
  func.func @_node_body(%arg0: i32, %arg1: memref<1000x128xf32, #tpu.memory_space<vmem>>, %arg2: memref<2x1000x16xf32, #tpu.memory_space<vmem>>, %arg3: memref<128x128xf32, #tpu.memory_space<vmem>>, %arg4: memref<16x128xf32, #tpu.memory_space<vmem>>, %arg5: memref<1x128xf32, #tpu.memory_space<vmem>>, %arg6: memref<128x128xf32, #tpu.memory_space<vmem>>, %arg7: memref<1x128xf32, #tpu.memory_space<vmem>>, %arg8: memref<1000x128xf32, #tpu.memory_space<vmem>>) attributes {dimension_semantics = [#tpu.dimension_semantics<arbitrary>], iteration_bounds = array<i64: 10>, scalar_prefetch = 0 : i64, scratch_operands = 0 : i64, tpu.core_type = #tpu.core_type<tc>, window_params = [{transform_indices = @transform_0, window_bounds = array<i64: 1000, 128>}, {transform_indices = @transform_1, window_bounds = array<i64: 2, 1000, 16>}, {pipeline_mode = #tpu.pipeline_mode<synchronous>, transform_indices = @transform_2, window_bounds = array<i64: 128, 128>}, {pipeline_mode = #tpu.pipeline_mode<synchronous>, transform_indices = @transform_3, window_bounds = array<i64: 16, 128>}, {pipeline_mode = #tpu.pipeline_mode<synchronous>, transform_indices = @transform_4, window_bounds = array<i64: 1, 128>}, {pipeline_mode = #tpu.pipeline_mode<synchronous>, transform_indices = @transform_5, window_bounds = array<i64: 128, 128>}, {pipeline_mode = #tpu.pipeline_mode<synchronous>, transform_indices = @transform_6, window_bounds = array<i64: 1, 128>}, {transform_indices = @transform_7, window_bounds = array<i64: 1000, 128>}]} {
    %get3A = arith.constant 0 : index
    %get3A_0 = arith.constant 0 : index
    %get3A_1 = vector.load %arg1[%get3A, %get3A_0] : memref<1000x128xf32, #tpu.memory_space<vmem>>, vector<1000x128xf32>
    %get3A_2 = arith.constant 0 : index
    %get3A_3 = arith.constant 0 : index
    %get3A_4 = arith.constant 0 : index
    %get3A_5 = vector.load %arg2[%get3A_2, %get3A_3, %get3A_4] : memref<2x1000x16xf32, #tpu.memory_space<vmem>>, vector<1x1000x16xf32>
    %get3A_6 = vector.shape_cast %get3A_5 : vector<1x1000x16xf32> to vector<1000x16xf32>
    %get3A_7 = arith.constant 1 : index
    %get3A_8 = arith.constant 0 : index
    %get3A_9 = arith.constant 0 : index
    %get3A_10 = vector.load %arg2[%get3A_7, %get3A_8, %get3A_9] : memref<2x1000x16xf32, #tpu.memory_space<vmem>>, vector<1x1000x16xf32>
    %get3A_11 = vector.shape_cast %get3A_10 : vector<1x1000x16xf32> to vector<1000x16xf32>
    %add3A = arith.addf %get3A_6, %get3A_11 : vector<1000x16xf32>
    %get3A_12 = arith.constant 0 : index
    %get3A_13 = arith.constant 0 : index
    %get3A_14 = vector.load %arg3[%get3A_12, %get3A_13] : memref<128x128xf32, #tpu.memory_space<vmem>>, vector<128x128xf32>
    %dot_general3A = arith.constant dense<0.000000e+00> : vector<1000x128xf32>
    %dot_general3A_15 = tpu.matmul %get3A_1, %get3A_14, %dot_general3A {dimension_numbers = #tpu.dot_dimension_numbers<[1], [0], [0], [1], [0, 0, 1, 1], [], []>, transpose_lhs_hint = false} : vector<1000x128xf32>, vector<128x128xf32>, vector<1000x128xf32> -> vector<1000x128xf32>
    %get3A_16 = arith.constant 0 : index
    %get3A_17 = arith.constant 0 : index
    %get3A_18 = vector.load %arg4[%get3A_16, %get3A_17] : memref<16x128xf32, #tpu.memory_space<vmem>>, vector<16x128xf32>
    %dot_general3A_19 = arith.constant dense<0.000000e+00> : vector<1000x128xf32>
    %dot_general3A_20 = tpu.matmul %add3A, %get3A_18, %dot_general3A_19 {dimension_numbers = #tpu.dot_dimension_numbers<[1], [0], [0], [1], [0, 0, 1, 1], [], []>, transpose_lhs_hint = false} : vector<1000x16xf32>, vector<16x128xf32>, vector<1000x128xf32> -> vector<1000x128xf32>
    %add3A_21 = arith.addf %dot_general3A_15, %dot_general3A_20 : vector<1000x128xf32>
    %get3A_22 = arith.constant 0 : index
    %get3A_23 = arith.constant 0 : index
    %get3A_24 = vector.load %arg5[%get3A_22, %get3A_23] : memref<1x128xf32, #tpu.memory_space<vmem>>, vector<1x128xf32>
    %add3A_25 = vector.broadcast %get3A_24 : vector<1x128xf32> to vector<1000x128xf32>
    %add3A_26 = arith.addf %add3A_21, %add3A_25 : vector<1000x128xf32>
    %mul3A = arith.constant 5.000000e-01 : f32
    %mul3A_27 = vector.broadcast %mul3A : f32 to vector<1000x128xf32>
    %mul3A_28 = arith.mulf %mul3A_27, %add3A_26 : vector<1000x128xf32>
    %mul3A_29 = arith.constant 4.471500e-02 : f32
    %mul3A_30 = vector.broadcast %mul3A_29 : f32 to vector<1000x128xf32>
    %mul3A_31 = arith.mulf %mul3A_30, %add3A_26 : vector<1000x128xf32>
    %mul3A_32 = arith.mulf %mul3A_31, %add3A_26 : vector<1000x128xf32>
    %mul3A_33 = arith.mulf %mul3A_32, %add3A_26 : vector<1000x128xf32>
    %add3A_34 = arith.addf %add3A_26, %mul3A_33 : vector<1000x128xf32>
    %mul3A_35 = arith.constant 0.797884583 : f32
    %mul3A_36 = vector.broadcast %mul3A_35 : f32 to vector<1000x128xf32>
    %mul3A_37 = arith.mulf %mul3A_36, %add3A_34 : vector<1000x128xf32>
    %tanh3A = math.tanh %mul3A_37 : vector<1000x128xf32>
    %add3A_38 = arith.constant 1.000000e+00 : f32
    %add3A_39 = vector.broadcast %add3A_38 : f32 to vector<1000x128xf32>
    %add3A_40 = arith.addf %add3A_39, %tanh3A : vector<1000x128xf32>
    %mul3A_41 = arith.mulf %mul3A_28, %add3A_40 : vector<1000x128xf32>
    %get3A_42 = arith.constant 0 : index
    %get3A_43 = arith.constant 0 : index
    %get3A_44 = vector.load %arg6[%get3A_42, %get3A_43] : memref<128x128xf32, #tpu.memory_space<vmem>>, vector<128x128xf32>
    %dot_general3A_45 = arith.constant dense<0.000000e+00> : vector<1000x128xf32>
    %dot_general3A_46 = tpu.matmul %mul3A_41, %get3A_44, %dot_general3A_45 {dimension_numbers = #tpu.dot_dimension_numbers<[1], [0], [0], [1], [0, 0, 1, 1], [], []>, transpose_lhs_hint = false} : vector<1000x128xf32>, vector<128x128xf32>, vector<1000x128xf32> -> vector<1000x128xf32>
    %add3A_47 = arith.addf %get3A_1, %dot_general3A_46 : vector<1000x128xf32>
    %get3A_48 = arith.constant 0 : index
    %get3A_49 = arith.constant 0 : index
    %get3A_50 = vector.load %arg7[%get3A_48, %get3A_49] : memref<1x128xf32, #tpu.memory_space<vmem>>, vector<1x128xf32>
    %add3A_51 = vector.broadcast %get3A_50 : vector<1x128xf32> to vector<1000x128xf32>
    %add3A_52 = arith.addf %add3A_47, %add3A_51 : vector<1000x128xf32>
    %swap3A = arith.constant 0 : index
    %swap3A_53 = arith.constant 0 : index
    %swap3A_54 = vector.load %arg8[%swap3A, %swap3A_53] : memref<1000x128xf32, #tpu.memory_space<vmem>>, vector<1000x128xf32>
    tpu.vector_store %arg8[%swap3A, %swap3A_53], %add3A_52 {strides = array<i32>} : memref<1000x128xf32, #tpu.memory_space<vmem>>, vector<1000x128xf32>,
    return
  }
  func.func @transform_0(%arg0: i32) -> (i32, i32) {
    %c0_i32 = arith.constant 0 : i32
    %c0_i32_0 = arith.constant 0 : i32
    return %arg0, %c0_i32 : i32, i32
  }
  func.func @transform_1(%arg0: i32) -> (i32, i32, i32) {
    %c0_i32 = arith.constant 0 : i32
    %c0_i32_0 = arith.constant 0 : i32
    %c0_i32_1 = arith.constant 0 : i32
    return %c0_i32, %arg0, %c0_i32_0 : i32, i32, i32
  }
  func.func @transform_2(%arg0: i32) -> (i32, i32) {
    %c0_i32 = arith.constant 0 : i32
    %c0_i32_0 = arith.constant 0 : i32
    %c0_i32_1 = arith.constant 0 : i32
    return %c0_i32, %c0_i32_0 : i32, i32
  }
  func.func @transform_3(%arg0: i32) -> (i32, i32) {
    %c0_i32 = arith.constant 0 : i32
    %c0_i32_0 = arith.constant 0 : i32
    %c0_i32_1 = arith.constant 0 : i32
    return %c0_i32, %c0_i32_0 : i32, i32
  }
  func.func @transform_4(%arg0: i32) -> (i32, i32) {
    %c0_i32 = arith.constant 0 : i32
    %c0_i32_0 = arith.constant 0 : i32
    %c0_i32_1 = arith.constant 0 : i32
    return %c0_i32, %c0_i32_0 : i32, i32
  }
  func.func @transform_5(%arg0: i32) -> (i32, i32) {
    %c0_i32 = arith.constant 0 : i32
    %c0_i32_0 = arith.constant 0 : i32
    %c0_i32_1 = arith.constant 0 : i32
    return %c0_i32, %c0_i32_0 : i32, i32
  }
  func.func @transform_6(%arg0: i32) -> (i32, i32) {
    %c0_i32 = arith.constant 0 : i32
    %c0_i32_0 = arith.constant 0 : i32
    %c0_i32_1 = arith.constant 0 : i32
    return %c0_i32, %c0_i32_0 : i32, i32
  }
  func.func @transform_7(%arg0: i32) -> (i32, i32) {
    %c0_i32 = arith.constant 0 : i32
    %c0_i32_0 = arith.constant 0 : i32
    return %arg0, %c0_i32 : i32, i32
  }
}

</mosaic_0001>

<sc_bundles>
// kernel: kernel.10.cloned.1.call-start
scs
__scs_entry_jumppad:
0x0: {  	(pc) =	sbr.rel $0x88, $3  }
0x1: {  	(tag) =	ssettag $0x0;
	lr =	simm.s32 $0x1  }
0x2: {  	[smem:$0x3F95] =	sst lr;
	_ =	strace $0xD0000000  }
0x3: {  	_ = 	snop  }
0x4: {  	_ = 	snop  }
0x5: {  	_ = 	snop  }
0x6: {  	_ = 	snop  }
0x7: {  	_ = 	snop  }
__scs_overlays_trampoline_lowered:
0x8: {  	[smem:$0x3FA4] =	sst s0  }
0x9: {  	[smem:$0x3FA5] =	sst s1  }
0xa: {  	[smem:$0x3FA6] =	sst s2  }
0xb: {  	[smem:$0x3FA7] =	sst s3  }
0xc: {  	[smem:$0x3FA8] =	sst s4  }
0xd: {  	[smem:$0x3FA9] =	sst s5  }
0xe: {  	[smem:$0x3FAA] =	sst s6  }
0xf: {  	[smem:$0x3FAB] =	sst s7  }
0x10: {  	[smem:$0x3FAC] =	sst s8  }
0x11: {  	[smem:$0x3FAD] =	sst s9;
	s0 =	simm.s32 @!p0 $0x0  }
0x12: {  	s1 =	sld [smem:$0x3F93];
	s0 =	simm.s32 @p0 $0x1  }
0x13: {  	[smem:$0x3FAE] =	sst s0;
	s0 =	simm.s32 @!p1 $0x0  }
0x14: {  	s2 =	sld [smem:$0x3F92];
	s0 =	simm.s32 @p1 $0x1  }
0x15: {  	[smem:$0x3FAF] =	sst s0;
	s0 =	simm.s32 @!p2 $0x0  }
0x16: {  	s3 =	sld [smem:$0x3FDB];
	s0 =	simm.s32 @p2 $0x1  }
0x17: {  	s4 =	simm.s32 $0x1BF5;
	[smem:$0x3FB1] =	sst s0  }
0x18: {  	s0 =	sld [smem:$0x3F94];
	_ =	swait.ge [sflag:s4], $0x0  }
0x19: {  	s7 =	sld [smem:$0x3F95]  }
0x1a: {  	s8 =	sadd.s32 $0xFFFFE003, lr  }
0x1b: {  	s9 =	sadd.s32 $0xFFFFFEF7, lr;
	s5 =	simm.s32 $0xFFFFFFFF;
	p2 =	slt.u32 s8, $0xFFFFF086  }
0x1c: {  	p1 =	slt.u32 s9, $0xF7A;
	s5 =	simm.s32 @!p2 $0x0  }
0x1d: {  	s5 =	simm.s32 @p1 $0x1;
	p0 =	seq.s32 s7, s2  }
0x1e: {  	s7 =	smul.u32 @!p0 $0xF7A, s2;
	p2 =	seq.s32 @!p0 s5, $0x0  }
0x1f: {  	s9 =	smul.u32 $0xF7A, s1;
	s8 =	simm.s32 @!p0 $0x1BF5;
	p2 =	por !p2, p0  }
0x20: {  	[sflag:s8] =	ssyncset.s32 @!p0 $0xFFFFF086;
	s6 =	sadd.s32 @!p0 s3, s7;
	s7 =	simm.s32 @!p0 $0x108  }
0x21: {  	s3 =	sadd.s32 s3, s9;
	s6 =	sadd.s32 @!p0 $0x88, s6;
	s7 =	simm.s32 @p2 $0x1082  }
0x22: {  	[simem:s7], [sflag:s8] =	dma.local @!p0 [hbm:s6], $0xF7A  }
0x23: {  	s9 =	sor.u32 $0xD0000000, s2;
	s6 =	simm.s32 $0x108;
	_ =	swait.ge @!p0 [sflag:s8], $0x0  }
0x24: {  	s3 =	sadd.s32 $0x88, s3;
	s6 =	simm.s32 @!p1 $0x1082;
	[sflag:s4] =	ssyncset.s32 $0xFFFFF086  }
0x25: {  	[simem:s6], [sflag:s4] =	dma.local [hbm:s3], $0xF7A  }
0x26: {  	[smem:$0x3F95] =	sst s1;
	(tag) =	ssettag s2;
	_ =	strace s9  }
0x27: {  	s1 =	sld [smem:$0x3FA5]  }
0x28: {  	s2 =	sld [smem:$0x3FA6]  }
0x29: {  	s4 =	sld [smem:$0x3FA8]  }
0x2a: {  	p0 =	seq.s32 s5, $0x0;
	s5 =	sld [smem:$0x3FA9]  }
0x2b: {  	s6 =	sld [smem:$0x3FAA]  }
0x2c: {  	s7 =	sld [smem:$0x3FAB]  }
0x2d: {  	s3 =	simm.s32 $0x108;
	s8 =	sld [smem:$0x3FAC]  }
0x2e: {  	s3 =	simm.s32 @!p0 $0x1082;
	s9 =	sld [smem:$0x3FAD]  }
0x2f: {  	lr =	sadd.s32 s0, s3;
	s0 =	sld [smem:$0x3FA4]  }
0x30: {  	s3 =	sld [smem:$0x3FA7]  }
0x31: {  	[smem:$0x3FB0] =	sst s10  }
0x32: {  	s10 =	sld [smem:$0x3FAE];
	_ =	sdelay $0x3  }
0x33: {  	p0 =	seq.s32 s10, $0x1;
	s10 =	sld [smem:$0x3FB0];
	_ =	sdelay $0x3  }
0x34: {  	[smem:$0x3FB0] =	sst s10  }
0x35: {  	s10 =	sld [smem:$0x3FAF];
	_ =	sdelay $0x3  }
0x36: {  	p1 =	seq.s32 s10, $0x1;
	s10 =	sld [smem:$0x3FB0];
	_ =	sdelay $0x3  }
0x37: {  	[smem:$0x3FB0] =	sst s10  }
0x38: {  	s10 =	sld [smem:$0x3FB1]  }
0x39: {  	_ = 	snop;
	(pc) =	sbr.ind lr, $3  }
0x3a: {  	_ = 	snop  }
0x3b: {  	_ = 	snop  }
0x3c: {  	p2 =	seq.s32 s10, $0x1;
	s10 =	sld [smem:$0x3FB0]  }
0x3d: {  	_ =	shalt  }
0x3e: {  	_ =	shalt  }
0x3f: {  	_ =	shalt  }
0x40: {  	_ =	shalt  }
0x41: {  	_ =	shalt  }
0x42: {  	_ =	shalt  }
0x43: {  	_ =	shalt  }
0x44: {  	_ =	shalt  }
0x45: {  	_ =	shalt  }
0x46: {  	_ =	shalt  }
0x47: {  	_ =	shalt  }
0x48: {  	_ =	shalt  }
0x49: {  	_ =	shalt  }
0x4a: {  	_ =	shalt  }
0x4b: {  	_ =	shalt  }
0x4c: {  	_ =	shalt  }
0x4d: {  	_ =	shalt  }
0x4e: {  	_ =	shalt  }
0x4f: {  	_ =	shalt  }
0x50: {  	_ =	shalt  }
0x51: {  	_ =	shalt  }
0x52: {  	_ =	shalt  }
0x53: {  	_ =	shalt  }
0x54: {  	_ =	shalt  }
0x55: {  	_ =	shalt  }
0x56: {  	_ =	shalt  }
0x57: {  	_ =	shalt  }
0x58: {  	_ =	shalt  }
0x59: {  	_ =	shalt  }
0x5a: {  	_ =	shalt  }
0x5b: {  	_ =	shalt  }
0x5c: {  	_ =	shalt  }
0x5d: {  	_ =	shalt  }
0x5e: {  	_ =	shalt  }
0x5f: {  	_ =	shalt  }
0x60: {  	_ =	shalt  }
0x61: {  	_ =	shalt  }
0x62: {  	_ =	shalt  }
0x63: {  	_ =	shalt  }
0x64: {  	_ =	shalt  }
0x65: {  	_ =	shalt  }
0x66: {  	_ =	shalt  }
0x67: {  	_ =	shalt  }
0x68: {  	_ =	shalt  }
0x69: {  	_ =	shalt  }
0x6a: {  	_ =	shalt  }
0x6b: {  	_ =	shalt  }
0x6c: {  	_ =	shalt  }
0x6d: {  	_ =	shalt  }
0x6e: {  	_ =	shalt  }
0x6f: {  	_ =	shalt  }
0x70: {  	_ =	shalt  }
0x71: {  	_ =	shalt  }
0x72: {  	_ =	shalt  }
0x73: {  	_ =	shalt  }
0x74: {  	_ =	shalt  }
0x75: {  	_ =	shalt  }
0x76: {  	_ =	shalt  }
0x77: {  	_ =	shalt  }
0x78: {  	_ =	shalt  }
0x79: {  	_ =	shalt  }
0x7a: {  	_ =	shalt  }
0x7b: {  	_ =	shalt  }
0x7c: {  	_ =	shalt  }
0x7d: {  	_ =	shalt  }
0x7e: {  	_ =	shalt  }
0x7f: {  	_ =	shalt  }
0x80: {  	_ =	shalt  }
0x81: {  	_ =	shalt  }
0x82: {  	_ =	shalt  }
0x83: {  	_ =	shalt  }
0x84: {  	_ =	shalt  }
0x85: {  	_ =	shalt  }
0x86: {  	_ =	shalt  }
0x87: {  	_ =	shalt  }
.Lfunc_end0:
.L_simem_size_0:
called_computation.1_lowered:
.L_overlay_start_0:
0x88: {  	s2 =	sld [smem:$0x3FD9]  }
0x89: {  	s3 =	sld [smem:$0x3FFE];
	_ =	sdelay $0x1  }
0x8a: {  	s1 =	srdreg.scid  }
0x8b: {  	s0 =	sand.u32 $0x1, s1  }
0x8c: {  	s14 =	sshll.u32 s0, $0xA;
	s2 =	sadd.s32 s3, s2  }
0x8d: {  	s2 =	sadd.s32 s2, s14  }
0x8e: {  	[smem:$0x3FBC] =	sst s2  }
0x8f: {  	_ = 	snop  }
0x90: {  	s2 =	sld [smem:$0x3FD0];
	_ =	sdelay $0x2  }
0x91: {  	s4 =	simm.s32 $0xA;
	s5 =	simm.s32 $0x10;
	s15 =	sld [smem:$0x3FC7]  }
0x92: {  	[smem:s5], [sflag:s4] =	dma.local [hbm:s2], $0x1  }
0x93: {  	_ =	swait.eq [sflag:s4], $0x1  }
0x94: {  	[sflag:s4] =	ssyncset.done $0x0  }
0x95: {  	[sflag:s4] =	ssyncadd.s32 $0xFFFFFFFF  }
0x96: {  	s16 =	sld [smem:$0x10];
	(tm) =	ssettm $0x1  }
0x97: {  	s17 =	sld [smem:$0x3FFB];
	_ =	sdelay $0x3  }
0x98: {  	_ =	strace s17  }
0x99: {  	s4 =	sld [smem:$0x3FFC];
	_ =	sdelay $0x3  }
0x9a: {  	_ =	strace s4  }
0x9b: {  	s4 =	sld [smem:$0x3FFD];
	_ =	sdelay $0x3  }
0x9c: {  	_ =	strace s4  }
0x9d: {  	_ =	strace $0x8FFFFFFF  }
0x9e: {  	s18 =	sld [smem:$0x3FDB];
	_ =	sdelay $0x1  }
0x9f: {  	s19 =	simm.s32 $_scs_section_size  }
0xa0: {  	s6 =	simm.s32 $_size__tile_overlayer_lowered;
	s7 =	simm.s32 $_tile_overlayer_lowered  }
0xa1: {  	s22 =	simm.s32 $0x1BFF;
	s21 =	sshll.u32 s7, $0x1;
	s4 =	sadd.s32 s19, s18  }
0xa2: {  	s8 =	simm.s32 $0x0;
	s20 =	sshll.u32 s6, $0x1;
	s6 =	sadd.s32 s21, s4  }
0xa3: {  	[timem:s8], [sflag:s22] =	dma.local [hbm:s6], s20  }
0xa4: {  	_ =	swait.ge [sflag:s22], s20  }
0xa5: {  	s5 =	ssub.s32 $0x0, s20;
	[sflag:s22] =	ssyncset.done $0x0  }
0xa6: {  	[sflag:s22] =	ssyncadd.s32 s5;
	_ =	sdelay $0x1  }
0xa7: {  	s23 =	simm.s32 $0x1B8B  }
0xa8: {  	_ =	swait.ge [sflag:s23], $0x1  }
0xa9: {  	[sflag:s23] =	ssyncset.done $0x0  }
0xaa: {  	s25 =	simm.s32 $0x1B8E;
	s24 =	sld [smem:$0x3FFE];
	[sflag:s23] =	ssyncadd.s32 $0xFFFFFFFF  }
0xab: {  	s26 =	simm.s32 $execute0_lowered;
	[smem:$0x3FD2] =	sst s25  }
0xac: {  	s6 =	sshll.u32 s26, $0x1;
	_ =	strace $0x80000049;
	[dreg:$0x1] =	wrdreg $0xFFFFFFFF  }
0xad: {  	s28 =	simm.s32 $_size_execute0_lowered;
	s4 =	sadd.s32 s4, s6;
	[dreg:$0x0] =	wrdreg $0x0  }
0xae: {  	s6 =	sshll.u32 s28, $0x1;
	[dreg:$0x2] =	wrdreg s4  }
0xaf: {  	[dreg:$0x3] =	wrdreg s6  }
0xb0: {  	[dreg:$0x4] =	wrdreg $0xC0  }
0xb1: {  	_ =	task [dreg:s8], $0x5FFFF  }
0xb2: {  	[dreg:$0x1] =	wrdreg $0xFFFFFFFF  }
0xb3: {  	[dreg:$0x0] =	wrdreg $0x60  }
0xb4: {  	[dreg:$0x2] =	wrdreg s24  }
0xb5: {  	[dreg:$0x3] =	wrdreg s15  }
0xb6: {  	[dreg:$0x4] =	wrdreg s16  }
0xb7: {  	[dreg:$0x5] =	wrdreg $0x22000  }
0xb8: {  	[dreg:$0x6] =	wrdreg $0x9  }
0xb9: {  	_ =	task.clear_ibuf [dreg:s8], $0x7FFFF;
	_ =	strace $0x90000049  }
0xba: {  	s29 =	simm.s32 $0x9;
	_ =	strace $0x8000004B  }
0xbb: {  	_ =	swait.ge [sflag:s29], $0x1  }
0xbc: {  	[sflag:s29] =	ssyncadd.s32 $0xFFFFFFFF  }
0xbd: {  	_ =	strace $0x9000004B  }
0xbe: {  	_ =	sfence  }
0xbf: {  	s30 =	sld [smem:$0x0];
	_ =	sdelay $0x2  }
0xc0: {  	s31 =	sshll.u32 s1, $0xD;
	s1 =	sshrl.u32 s1, $0x2  }
0xc1: {  	s3 =	sand.u32 $0x4000, s31;
	s1 =	sadd.s32 s1, s30  }
0xc2: {  	s0 =	sor.u32 s3, s0;
	s1 =	sshll.u32 s1, $0x11  }
0xc3: {  	s0 =	sor.u32 s1, s0  }
0xc4: {  	s0 =	sadd.s32 $0x8F2B, s0  }
0xc5: {  	[sflag:s0] =	ssyncadd.remote.s32 $0x1  }
0xc6: {  	_ =	sfence.sel $0xFFFF  }
0xc7: {  	[dreg:$0x0] =	wrdreg $0xFFFFFFFF;
	(pc) =	sbr.abs _section_cstart, $3  }
0xc8: {  	[dreg:$0x1] =	wrdreg $0xFFFFFFFF  }
0xc9: {  	_ =	task.clear_ibuf [dreg:s8], $0x2FFFF;
	_ =	strace $0x9FFFFFFF  }
0xca: {  	(tm) =	ssettm $0x7FFFFFFF  }
0xcb: {  	_ =	shalt  }
tec
execute0_lowered:
.L_overlay_start_1:
0x0: {  	(tag) =	ssettag $0x1  }
0x1: {  	s0 =	rddreg [dreg:$0x0]  }
0x2: {  	s1 =	rddreg [dreg:$0x1]  }
0x3: {  	s4 =	rddreg [dreg:$0x2]  }
0x4: {  	s2 =	rddreg [dreg:$0x3];
	s3 =	simm.s32 $0x0;
	s5 =	srdreg.scid  }
0x5: {  	s6 =	simm.s32 $0x4F;
	s29 =	simm.s32 $0x1;
	s30 =	simm.s32 $0x2  }
0x6: {  	[smem:$0x7FF] =	sst s3;
	s11 =	sadd.s32 $0x2A00, s0;
	s0 =	sadd.s32 $0x9EE00, s0  }
0x7: {  	s5 =	sand.u32 $0x1, s5;
	_ =	strace $0x8000004A;
	[dreg:$0xb] =	wrdreg s0  }
0x8: {  	s7 =	ssub.s32 $0x2, s5;
	s0 =	stileid.u32;
	s20 =	smul.u32 $0x5000, s5  }
0x9: {  	s8 =	sshrl.u32 s7, $0x1;
	s9 =	sshll.u32 s0, $0x1;
	p0 =	slt.u32 s0, $0x2  }
0xa: {  	s21 =	sshll.u32 s0, $0x8;
	s7 =	ssub.s32 s7, s8;
	s12 =	sor.u32 s5, s9  }
0xb: {  	s6 =	simm.s32 @!p0 $0x4E;
	s5 =	sshll.u32 s5, $0x7;
	s4 =	sadd.s32 s4, s20  }
0xc: {  	p0 =	sne.s32 s0, $0x0;
	s9 =	sshll.u32 s12, $0x4;
	s10 =	sshll.u32 s12, $0x8  }
0xd: {  	s8 =	sshll.u32 s12, $0x7;
	s19 =	sadd.s32 $0xFFFFFFFE, s6;
	s22 =	sadd.s32 $0xFFFFFFFD, s6  }
0xe: {  	s5 =	sor.u32 s5, s21;
	[dreg:$0x14] =	wrdreg s4;
	s7 =	smax.u32 s7, $0x1  }
0xf: {  	s21 =	simm.s32 $0x200;
	s9 =	sadd.s32 s1, s9;
	s13 =	sadd.s32 s11, s10  }
0x10: {  	s14 =	sor.u32 $0x1000, s8;
	s12 =	sor.u32 $0x2000, s8;
	[dreg:$0x5] =	wrdreg s19  }
0x11: {  	s8 =	sor.u32 $0x3000, s8;
	[dreg:$0x6] =	wrdreg s22;
	s23 =	sor.u32 $0x4000, s5  }
0x12: {  	[dreg:$0x16] =	wrdreg s7;
	s24 =	sor.u32 $0x7000, s5;
	s26 =	sor.u32 $0x6000, s5  }
0x13: {  	s5 =	sor.u32 $0x5000, s5;
	s22 =	simm.s32 $0x80;
	[dreg:$0xc] =	wrdreg s9  }
0x14: {  	[dreg:$0xd] =	wrdreg s13;
	s15 =	sshrl.u32 s14, $0x3;
	s9 =	sshll.u32 s14, $0x1  }
0x15: {  	s16 =	sshrl.u32 s12, $0x3;
	[dreg:$0x15] =	wrdreg s23;
	s4 =	sshll.u32 s23, $0x1  }
0x16: {  	s17 =	sshll.u32 s12, $0x1;
	s7 =	sshll.u32 s24, $0x1;
	[dreg:$0x7] =	wrdreg s4  }
0x17: {  	s31 =	sshrl.u32 s5, $0x3;
	s5 =	sshll.u32 s5, $0x1;
	[dreg:$0xa] =	wrdreg s7  }
0x18: {  	s18 =	sshrl.u32 s8, $0x3;
	s10 =	sadd.s32 s1, s15;
	[dreg:$0x8] =	wrdreg s5  }
0x19: {  	s8 =	sshll.u32 s8, $0x1;
	s9 =	sadd.s32 s11, s9;
	[dreg:$0xe] =	wrdreg s10  }
0x1a: {  	s25 =	sshrl.u32 s24, $0x3;
	s8 =	sadd.s32 s11, s8;
	[dreg:$0xf] =	wrdreg s9  }
0x1b: {  	s28 =	sshrl.u32 s26, $0x3;
	s4 =	sshll.u32 s26, $0x1;
	[dreg:$0x13] =	wrdreg s8  }
0x1c: {  	s23 =	simm.s32 $0xA00;
	s9 =	sadd.s32 s1, s16;
	[dreg:$0x9] =	wrdreg s4  }
0x1d: {  	s12 =	sadd.s32 s25, s1;
	[dreg:$0x10] =	wrdreg s9;
	s9 =	sadd.s32 s11, s17  }
0x1e: {  	s19 =	sadd.s32 s28, s1;
	[dreg:$0x11] =	wrdreg s9;
	s9 =	sadd.s32 s1, s18  }
0x1f: {  	s20 =	sadd.s32 s31, s1;
	s26 =	simm.s32 $0x0;
	[dreg:$0x12] =	wrdreg s9  }
.LBB2_1:
0x20: {  	s28 =	sshrl.u32 @!p0 s2, $0x3;
	s0 =	simm.s32 @!p0 $0x1C09;
	s4 =	rddreg [dreg:$0xb]  }
0x21: {  	[spmem:s28], [sflag:s0] =	dma.local @!p0 [hbm:s4], $0x5000  }
0x22: {  	s0 =	simm.s32 @!p0 $0x9  }
0x23: {  	_ =	swait.ge @!p0 [sflag:s0], $0x5000  }
0x24: {  	[sflag:s0] =	ssyncset.done @!p0 $0x0  }
0x25: {  	[sflag:s0] =	ssyncadd.s32 @!p0 $0xFFFFB000  }
0x26: {  	[bflag:$0x0] =	sbarrier.arrive $0xFFFF  }
0x27: {  	s5 =	rddreg [dreg:$0xc]  }
0x28: {  	[tilespmem:s3], [sflag:$0x1] =	stream.linear.gather [hbm4b:s5+s3], $0x80, $0x38;
	[tilespmem:$0x4A00] =	vst v63  }
0x29: {  	s7 =	rddreg [dreg:$0xd]  }
0x2a: {  	[tilespmem:s21], [sflag:$0x1] =	stream.linear.gather [hbm4b:s7+s3], $0x800, $0x38;
	[tilespmem:$0x4A00] =	vst v63  }
0x2b: {  	s8 =	rddreg [dreg:$0xe]  }
0x2c: {  	[tilespmem:s22], [sflag:$0x2] =	stream.linear.gather [hbm4b:s8+s3], $0x80, $0x38;
	[tilespmem:$0x4A00] =	vst v63  }
0x2d: {  	s9 =	rddreg [dreg:$0xf]  }
0x2e: {  	[tilespmem:s23], [sflag:$0x2] =	stream.linear.gather [hbm4b:s9+s3], $0x800, $0x38;
	[tilespmem:$0x4A00] =	vst v63  }
0x2f: {  	s13 =	simm.s32 $0x100;
	s10 =	rddreg [dreg:$0x10]  }
0x30: {  	[tilespmem:s13], [sflag:$0x3] =	stream.linear.gather [hbm4b:s10+s3], $0x80, $0x38;
	[tilespmem:$0x4A00] =	vst v63  }
0x31: {  	s15 =	simm.s32 $0x1200;
	s14 =	rddreg [dreg:$0x11]  }
0x32: {  	[tilespmem:s15], [sflag:$0x3] =	stream.linear.gather [hbm4b:s14+s3], $0x800, $0x38;
	[tilespmem:$0x4A00] =	vst v63  }
0x33: {  	s17 =	simm.s32 $0x180;
	s16 =	rddreg [dreg:$0x12]  }
0x34: {  	[tilespmem:s17], [sflag:$0x4] =	stream.linear.gather [hbm4b:s16+s3], $0x80, $0x38;
	[tilespmem:$0x4A00] =	vst v63  }
0x35: {  	s24 =	simm.s32 $0x1A00;
	s18 =	rddreg [dreg:$0x13]  }
0x36: {  	[tilespmem:s24], [sflag:$0x4] =	stream.linear.gather [hbm4b:s18+s3], $0x800, $0x38;
	[tilespmem:$0x4A00] =	vst v63  }
0x37: {  	_ =	swait.ge [sflag:s29], $0x80  }
0x38: {  	[sflag:s29] =	ssyncset.done $0x0  }
0x39: {  	[sflag:s29] =	ssyncadd.s32 $0xFFFFFF80  }
0x3a: {  	_ =	swait.ge [sflag:s29], $0x800  }
0x3b: {  	[sflag:s29] =	ssyncset.done $0x0  }
0x3c: {  	[sflag:s29] =	ssyncadd.s32 $0xFFFFF800  }
0x3d: {  	[spmem:s2] =	stream.indirect.scatter.add.f32 [tilespmem:s21], [sflag:$0x5], $0x10, s3, s22, $0xb8;
	[tilespmem:$0x4A00] =	vst v63  }
0x3e: {  	_ =	swait.ge [sflag:s30], $0x80  }
0x3f: {  	[sflag:s30] =	ssyncset.done $0x0  }
0x40: {  	[sflag:s30] =	ssyncadd.s32 $0xFFFFFF80  }
0x41: {  	_ =	swait.ge [sflag:s30], $0x800  }
0x42: {  	[sflag:s30] =	ssyncset.done $0x0;
	s25 =	rddreg [dreg:$0x5]  }
0x43: {  	[sflag:s30] =	ssyncadd.s32 $0xFFFFF800;
	p1 =	sle.u32 s25, $0x0  }
0x44: {  	[spmem:s2] =	stream.indirect.scatter.add.f32 [tilespmem:s23], [sflag:$0x6], $0x10, s22, s22, $0xb8;
	[tilespmem:$0x4A00] =	vst v63  }
0x45: {  	s0 =	simm.s32 @!p1 $0x3  }
0x46: {  	_ =	swait.ge @!p1 [sflag:s0], $0x80  }
0x47: {  	[sflag:s0] =	ssyncset.done @!p1 $0x0  }
0x48: {  	[sflag:s0] =	ssyncadd.s32 @!p1 $0xFFFFFF80  }
0x49: {  	s4 =	simm.s32 @!p1 $0x1200;
	_ =	swait.ge @!p1 [sflag:s0], $0x800  }
0x4a: {  	s7 =	simm.s32 @!p1 $0x80;
	[sflag:s0] =	ssyncset.done @!p1 $0x0;
	s5 =	rddreg [dreg:$0x6]  }
0x4b: {  	s8 =	simm.s32 @!p1 $0x100;
	[sflag:s0] =	ssyncadd.s32 @!p1 $0xFFFFF800;
	p2 =	sle.u32 s5, $0x0  }
0x4c: {  	[spmem:s2] =	stream.indirect.scatter.add.f32 @!p1 [tilespmem:s4], [sflag:$0x7], $0x10, s8, s7, $0xb8;
	[tilespmem:$0x4A00] =	vst v63  }
0x4d: {  	s0 =	simm.s32 @!p2 $0x4  }
0x4e: {  	_ =	swait.ge @!p2 [sflag:s0], $0x80  }
0x4f: {  	[sflag:s0] =	ssyncset.done @!p2 $0x0  }
0x50: {  	[sflag:s0] =	ssyncadd.s32 @!p2 $0xFFFFFF80  }
0x51: {  	s4 =	simm.s32 @!p2 $0x180;
	s5 =	simm.s32 @!p2 $0x1A00;
	_ =	swait.ge @!p2 [sflag:s0], $0x800  }
0x52: {  	p1 =	sle.u32 s6, $0x4;
	s7 =	simm.s32 @!p2 $0x80;
	[sflag:s0] =	ssyncset.done @!p2 $0x0  }
0x53: {  	s8 =	simm.s32 @!p1 $0x5;
	s14 =	rddreg [dreg:$0x15];
	[sflag:s0] =	ssyncadd.s32 @!p2 $0xFFFFF800  }
0x54: {  	[spmem:s2] =	stream.indirect.scatter.add.f32 @!p2 [tilespmem:s5], [sflag:$0x8], $0x10, s4, s7, $0xb8;
	[tilespmem:$0x4A00] =	vst v63  }
0x55: {  	s0 =	sshrl.u32 @!p1 s14, $0x3;
	_ =	swait.ge @!p1 [sflag:s8], $0x800  }
0x56: {  	s0 =	sadd.s32 @!p1 s1, s0;
	s5 =	simm.s32 @!p1 $0x0;
	[sflag:s8] =	ssyncset.done @!p1 $0x0  }
0x57: {  	p2 =	sle.u32 s6, $0x5;
	s4 =	rddreg [dreg:$0x7];
	[sflag:s8] =	ssyncadd.s32 @!p1 $0xFFFFF800  }
0x58: {  	[tilespmem:s5], [sflag:$0x1] =	stream.linear.gather @!p1 [hbm4b:s0+s5], $0x80, $0x38;
	[tilespmem:$0x4A00] =	vst v63  }
0x59: {  	s7 =	simm.s32 @!p2 $0x6;
	s4 =	sadd.s32 @!p1 s11, s4;
	s0 =	simm.s32 @!p1 $0x200  }
0x5a: {  	[tilespmem:s0], [sflag:$0x1] =	stream.linear.gather @!p1 [hbm4b:s4+s5], $0x800, $0x38;
	[tilespmem:$0x4A00] =	vst v63  }
0x5b: {  	_ =	swait.ge @!p2 [sflag:s7], $0x800  }
0x5c: {  	s9 =	sadd.s32 $0x800, s19;
	s4 =	simm.s32 @!p2 $0x80;
	[sflag:s7] =	ssyncset.done @!p2 $0x0  }
0x5d: {  	s5 =	simm.s32 @!p2 $0x0;
	s0 =	rddreg [dreg:$0x8];
	[sflag:s7] =	ssyncadd.s32 @!p2 $0xFFFFF800  }
0x5e: {  	[tilespmem:s4], [sflag:$0x2] =	stream.linear.gather @!p2 [hbm4b:s20+s5], $0x80, $0x38;
	[tilespmem:$0x4A00] =	vst v63  }
0x5f: {  	p1 =	sle.u32 s6, $0x6;
	s0 =	sadd.s32 @!p2 s11, s0;
	s4 =	simm.s32 @!p2 $0xA00  }
0x60: {  	[tilespmem:s4], [sflag:$0x2] =	stream.linear.gather @!p2 [hbm4b:s0+s5], $0x800, $0x38;
	[tilespmem:$0x4A00] =	vst v63  }
0x61: {  	s18 =	smov.u32 s12;
	s8 =	sadd.s32 $0x800, s12;
	s0 =	simm.s32 @!p1 $0x7  }
0x62: {  	s10 =	simm.s32 @!p1 $0x100;
	s13 =	simm.s32 @!p1 $0x0;
	_ =	swait.ge @!p1 [sflag:s0], $0x800  }
0x63: {  	s7 =	sadd.s32 $0x800, s20;
	s5 =	simm.s32 $0xB;
	[sflag:s0] =	ssyncset.done @!p1 $0x0  }
0x64: {  	p2 =	sle.u32 s6, $0x7;
	s4 =	rddreg [dreg:$0x9];
	[sflag:s0] =	ssyncadd.s32 @!p1 $0xFFFFF800  }
0x65: {  	[tilespmem:s10], [sflag:$0x3] =	stream.linear.gather @!p1 [hbm4b:s19+s13], $0x80, $0x38;
	[tilespmem:$0x4A00] =	vst v63  }
0x66: {  	s31 =	simm.s32 @!p2 $0x8;
	s0 =	simm.s32 @!p1 $0x1200;
	s4 =	sadd.s32 @!p1 s11, s4  }
0x67: {  	[tilespmem:s0], [sflag:$0x3] =	stream.linear.gather @!p1 [hbm4b:s4+s13], $0x800, $0x38;
	[tilespmem:$0x4A00] =	vst v63  }
0x68: {  	s17 =	simm.s32 @!p2 $0x0;
	s10 =	sadd.s32 $0x8000, s11;
	s0 =	simm.s32 @!p2 $0x180  }
0x69: {  	s13 =	sadd.s32 $0x4000, s14;
	s4 =	smov.u32 s11;
	_ =	swait.ge @!p2 [sflag:s31], $0x800  }
.LBB2_2:
0x6a: {  	[sflag:s31] =	ssyncset.done @!p2 $0x0  }
0x6b: {  	s24 =	rddreg [dreg:$0xa];
	[sflag:s31] =	ssyncadd.s32 @!p2 $0xFFFFF800  }
0x6c: {  	[tilespmem:s0], [sflag:$0x4] =	stream.linear.gather @!p2 [hbm4b:s18+s17], $0x80, $0x38;
	[tilespmem:$0x4A00] =	vst v63  }
0x6d: {  	s31 =	simm.s32 @!p2 $0x1A00;
	s0 =	sadd.s32 @!p2 s4, s24  }
0x6e: {  	[tilespmem:s31], [sflag:$0x4] =	stream.linear.gather @!p2 [hbm4b:s0+s17], $0x800, $0x38;
	[tilespmem:$0x4A00] =	vst v63  }
0x6f: {  	_ =	swait.ge [sflag:s29], $0x80  }
0x70: {  	[sflag:s29] =	ssyncset.done $0x0  }
0x71: {  	[sflag:s29] =	ssyncadd.s32 $0xFFFFFF80  }
0x72: {  	_ =	swait.ge [sflag:s29], $0x800  }
0x73: {  	[sflag:s29] =	ssyncset.done $0x0  }
0x74: {  	[sflag:s29] =	ssyncadd.s32 $0xFFFFF800  }
0x75: {  	[spmem:s2] =	stream.indirect.scatter.add.f32 [tilespmem:s21], [sflag:$0x5], $0x10, s3, s22, $0xb8;
	[tilespmem:$0x4A00] =	vst v63  }
0x76: {  	_ =	swait.ge [sflag:s30], $0x80  }
0x77: {  	[sflag:s30] =	ssyncset.done $0x0  }
0x78: {  	[sflag:s30] =	ssyncadd.s32 $0xFFFFFF80  }
0x79: {  	s14 =	smov.u32 s5;
	_ =	swait.ge [sflag:s30], $0x800  }
0x7a: {  	s0 =	sadd.s32 $0xFFFFFFF9, s14;
	[sflag:s30] =	ssyncset.done $0x0;
	s24 =	rddreg [dreg:$0x5]  }
0x7b: {  	[sflag:s30] =	ssyncadd.s32 $0xFFFFF800;
	p2 =	sge.u32 s0, s24  }
0x7c: {  	[spmem:s2] =	stream.indirect.scatter.add.f32 [tilespmem:s23], [sflag:$0x6], $0x10, s22, s22, $0xb8;
	[tilespmem:$0x4A00] =	vst v63  }
0x7d: {  	s17 =	simm.s32 @!p2 $0x3  }
0x7e: {  	_ =	swait.ge @!p2 [sflag:s17], $0x80  }
0x7f: {  	[sflag:s17] =	ssyncset.done @!p2 $0x0  }
0x80: {  	[sflag:s17] =	ssyncadd.s32 @!p2 $0xFFFFFF80  }
0x81: {  	s24 =	simm.s32 @!p2 $0x1200;
	_ =	swait.ge @!p2 [sflag:s17], $0x800  }
0x82: {  	s31 =	simm.s32 @!p2 $0x80;
	[sflag:s17] =	ssyncset.done @!p2 $0x0;
	s16 =	rddreg [dreg:$0x6]  }
0x83: {  	s25 =	simm.s32 @!p2 $0x100;
	[sflag:s17] =	ssyncadd.s32 @!p2 $0xFFFFF800;
	p3 =	sge.u32 s0, s16  }
0x84: {  	[spmem:s2] =	stream.indirect.scatter.add.f32 @!p2 [tilespmem:s24], [sflag:$0x7], $0x10, s25, s31, $0xb8;
	[tilespmem:$0x4A00] =	vst v63  }
0x85: {  	s0 =	simm.s32 @!p3 $0x4  }
0x86: {  	s5 =	sadd.s32 $0x4, s5;
	_ =	swait.ge @!p3 [sflag:s0], $0x80  }
0x87: {  	s15 =	smov.u32 s9;
	s9 =	sadd.s32 $0x800, s9;
	[sflag:s0] =	ssyncset.done @!p3 $0x0  }
0x88: {  	p1 =	sne.s32 s5, $0x57;
	s18 =	smov.u32 s8;
	[sflag:s0] =	ssyncadd.s32 @!p3 $0xFFFFFF80  }
0x89: {  	s16 =	simm.s32 @!p3 $0x180;
	s24 =	sadd.s32 $0xFFFFFFFD, s14;
	_ =	swait.ge @!p3 [sflag:s0], $0x800  }
0x8a: {  	s17 =	simm.s32 @!p3 $0x1A00;
	p2 =	sge.u32 s24, s6;
	[sflag:s0] =	ssyncset.done @!p3 $0x0  }
0x8b: {  	s25 =	simm.s32 @!p3 $0x80;
	s24 =	simm.s32 @!p2 $0x5;
	[sflag:s0] =	ssyncadd.s32 @!p3 $0xFFFFF800  }
0x8c: {  	[spmem:s2] =	stream.indirect.scatter.add.f32 @!p3 [tilespmem:s17], [sflag:$0x8], $0x10, s16, s25, $0xb8;
	[tilespmem:$0x4A00] =	vst v63  }
0x8d: {  	s31 =	sshrl.u32 @!p2 s13, $0x3;
	s25 =	sadd.s32 $0xFFFFFFFE, s14;
	_ =	swait.ge @!p2 [sflag:s24], $0x800  }
0x8e: {  	s31 =	sadd.s32 @!p2 s1, s31;
	p4 =	sge.u32 s25, s6;
	[sflag:s24] =	ssyncset.done @!p2 $0x0  }
0x8f: {  	s17 =	rddreg [dreg:$0x7];
	[sflag:s24] =	ssyncadd.s32 @!p2 $0xFFFFF800;
	s24 =	simm.s32 @!p2 $0x0  }
0x90: {  	[tilespmem:s24], [sflag:$0x1] =	stream.linear.gather @!p2 [hbm4b:s31+s24], $0x80, $0x38;
	[tilespmem:$0x4A00] =	vst v63  }
0x91: {  	s0 =	simm.s32 @!p2 $0x200;
	s16 =	sadd.s32 @!p2 s10, s17;
	s17 =	simm.s32 @!p4 $0x6  }
0x92: {  	[tilespmem:s0], [sflag:$0x1] =	stream.linear.gather @!p2 [hbm4b:s16+s24], $0x800, $0x38;
	[tilespmem:$0x4A00] =	vst v63  }
0x93: {  	s4 =	smov.u32 s10;
	s8 =	sadd.s32 $0x800, s8;
	_ =	swait.ge @!p4 [sflag:s17], $0x800  }
0x94: {  	s25 =	sadd.s32 $0xFFFFFFFF, s14;
	s0 =	simm.s32 @!p4 $0x80;
	[sflag:s17] =	ssyncset.done @!p4 $0x0  }
0x95: {  	s16 =	simm.s32 @!p4 $0x0;
	s24 =	rddreg [dreg:$0x8];
	[sflag:s17] =	ssyncadd.s32 @!p4 $0xFFFFF800  }
0x96: {  	[tilespmem:s0], [sflag:$0x2] =	stream.linear.gather @!p4 [hbm4b:s7+s16], $0x80, $0x38;
	[tilespmem:$0x4A00] =	vst v63  }
0x97: {  	p3 =	sge.u32 s25, s6;
	s17 =	simm.s32 @!p4 $0xA00;
	s0 =	sadd.s32 @!p4 s10, s24  }
0x98: {  	[tilespmem:s17], [sflag:$0x2] =	stream.linear.gather @!p4 [hbm4b:s0+s16], $0x800, $0x38;
	[tilespmem:$0x4A00] =	vst v63  }
0x99: {  	s13 =	sadd.s32 $0x4000, s13;
	p2 =	sge.u32 s14, s6;
	s0 =	simm.s32 @!p3 $0x7  }
0x9a: {  	s31 =	simm.s32 @!p2 $0x8;
	s7 =	sadd.s32 $0x800, s7;
	_ =	swait.ge @!p3 [sflag:s0], $0x800  }
0x9b: {  	s24 =	simm.s32 @!p3 $0x0;
	s16 =	simm.s32 @!p3 $0x100;
	[sflag:s0] =	ssyncset.done @!p3 $0x0  }
.Ltmp0:
0x9c: {  	s17 =	rddreg [dreg:$0x9];
	[sflag:s0] =	ssyncadd.s32 @!p3 $0xFFFFF800;
	(pc) =	sbr.rel @p1 .LBB2_2-.Ltmp0, $4  }
0x9d: {  	[tilespmem:s16], [sflag:$0x3] =	stream.linear.gather @!p3 [hbm4b:s15+s24], $0x80, $0x38;
	[tilespmem:$0x4A00] =	vst v63  }
0x9e: {  	s10 =	sadd.s32 $0x8000, s10;
	s0 =	simm.s32 @!p3 $0x1200;
	s14 =	sadd.s32 @!p3 s4, s17  }
0x9f: {  	[tilespmem:s0], [sflag:$0x3] =	stream.linear.gather @!p3 [hbm4b:s14+s24], $0x800, $0x38;
	[tilespmem:$0x4A00] =	vst v63  }
0xa0: {  	s17 =	simm.s32 @!p2 $0x0;
	s0 =	simm.s32 @!p2 $0x180;
	_ =	swait.ge @!p2 [sflag:s31], $0x800  }
0xa1: {  	[sflag:s31] =	ssyncset.done @!p2 $0x0  }
0xa2: {  	s5 =	rddreg [dreg:$0xa];
	[sflag:s31] =	ssyncadd.s32 @!p2 $0xFFFFF800  }
0xa3: {  	[tilespmem:s0], [sflag:$0x4] =	stream.linear.gather @!p2 [hbm4b:s18+s17], $0x80, $0x38;
	[tilespmem:$0x4A00] =	vst v63  }
0xa4: {  	s4 =	sadd.s32 @!p2 s4, s5;
	s0 =	simm.s32 @!p2 $0x1A00  }
0xa5: {  	[tilespmem:s0], [sflag:$0x4] =	stream.linear.gather @!p2 [hbm4b:s4+s17], $0x800, $0x38;
	[tilespmem:$0x4A00] =	vst v63  }
0xa6: {  	s17 =	simm.s32 $0x5  }
0xa7: {  	_ =	swait.ge [sflag:s17], $0x800  }
0xa8: {  	[sflag:s17] =	ssyncset.done $0x0  }
0xa9: {  	s18 =	simm.s32 $0x6;
	[sflag:s17] =	ssyncadd.s32 $0xFFFFF800  }
0xaa: {  	_ =	swait.ge [sflag:s18], $0x800  }
0xab: {  	[sflag:s18] =	ssyncset.done $0x0  }
0xac: {  	s24 =	simm.s32 $0x7;
	[sflag:s18] =	ssyncadd.s32 $0xFFFFF800  }
0xad: {  	_ =	swait.ge [sflag:s24], $0x800  }
0xae: {  	[sflag:s24] =	ssyncset.done $0x0  }
0xaf: {  	s25 =	simm.s32 $0x8;
	[sflag:s24] =	ssyncadd.s32 $0xFFFFF800  }
0xb0: {  	_ =	swait.ge [sflag:s25], $0x800  }
0xb1: {  	[sflag:s25] =	ssyncset.done $0x0  }
0xb2: {  	[sflag:s25] =	ssyncadd.s32 $0xFFFFF800  }
0xb3: {  	[bflag:$0x0] =	sbarrier.arrive $0xFFFF  }
0xb4: {  	s0 =	simm.s32 @!p0 $0x1C09;
	s4 =	rddreg [dreg:$0x14]  }
0xb5: {  	[hbm:s4], [sflag:s0] =	dma.local @!p0 [spmem:s28], $0x5000  }
0xb6: {  	s0 =	simm.s32 @!p0 $0x9  }
0xb7: {  	_ =	swait.ge @!p0 [sflag:s0], $0x5000  }
0xb8: {  	s26 =	sadd.s32 $0x1, s26;
	s31 =	rddreg [dreg:$0x16]  }
0xb9: {  	p1 =	sne.s32 s26, s31  }
.Ltmp1:
0xba: {  	_ = 	snop;
	(pc) =	sbr.rel @p1 .LBB2_1-.Ltmp1, $3  }
0xbb: {  	_ =	sdelay $0x1  }
0xbc: {  	[sflag:s0] =	ssyncset.done @!p0 $0x0  }
0xbd: {  	[sflag:s0] =	ssyncadd.s32 @!p0 $0xFFFFB000  }
0xbe: {  	_ =	sfence.sel $0x180000  }
0xbf: {  	[bflag:$0x0] =	sbarrier.arrive $0xFFFF  }
0xc0: {  	_ =	strace $0x9000004A  }
0xc1: {  	[bflag:$0x2] =	sbarrier.arrive $0xFFFF  }
0xc2: {  	s0 =	rddreg [dreg:$0x4]  }
0xc3: {  	s0 =	sadd.s32 @!p0 $0x100000, s0  }
0xc4: {  	[sflag:s0] =	ssyncadd.tile.s32 @!p0 $0x1;
	_ =	shalt  }
.Lfunc_end2:
_tile_overlayer_lowered:
.L_overlay_start_2:
0xc5: {  	(tag) =	ssettag $0x2  }
0xc6: {  	s0 =	rddreg [dreg:$0x0];
	s2 =	stileid.u32  }
0xc7: {  	s1 =	rddreg [dreg:$0x1];
	p0 =	sne.s32 s2, $0x0  }
0xc8: {  	s3 =	rddreg [dreg:$0x2];
	[bflag:$0x3] =	sbarrier.arrive $0xFFFF;
	s2 =	simm.s32 @!p0 $0x1C09  }
0xc9: {  	[timem:s3], [sflag:s2] =	dma.local @!p0 [hbm:s0], s1  }
0xca: {  	s0 =	simm.s32 @!p0 $0x9  }
0xcb: {  	_ =	swait.ge @!p0 [sflag:s0], s1  }
0xcc: {  	s1 =	ssub.s32 @!p0 $0x0, s1;
	[sflag:s0] =	ssyncset.done @!p0 $0x0  }
0xcd: {  	[sflag:s0] =	ssyncadd.s32 @!p0 s1  }
0xce: {  	[bflag:$0x3] =	sbarrier.arrive $0xFFFF  }
0xcf: {  	_ =	shalt  }

// kernel: kernel.7.cloned.1.call-start
scs
__scs_entry_jumppad:
0x0: {  	(pc) =	sbr.rel $0x88, $3  }
0x1: {  	(tag) =	ssettag $0x0;
	lr =	simm.s32 $0x1  }
0x2: {  	[smem:$0x3F95] =	sst lr;
	_ =	strace $0xD0000000  }
0x3: {  	_ = 	snop  }
0x4: {  	_ = 	snop  }
0x5: {  	_ = 	snop  }
0x6: {  	_ = 	snop  }
0x7: {  	_ = 	snop  }
__scs_overlays_trampoline_lowered:
0x8: {  	[smem:$0x3FA4] =	sst s0  }
0x9: {  	[smem:$0x3FA5] =	sst s1  }
0xa: {  	[smem:$0x3FA6] =	sst s2  }
0xb: {  	[smem:$0x3FA7] =	sst s3  }
0xc: {  	[smem:$0x3FA8] =	sst s4  }
0xd: {  	[smem:$0x3FA9] =	sst s5  }
0xe: {  	[smem:$0x3FAA] =	sst s6  }
0xf: {  	[smem:$0x3FAB] =	sst s7  }
0x10: {  	[smem:$0x3FAC] =	sst s8  }
0x11: {  	[smem:$0x3FAD] =	sst s9;
	s0 =	simm.s32 @!p0 $0x0  }
0x12: {  	s1 =	sld [smem:$0x3F93];
	s0 =	simm.s32 @p0 $0x1  }
0x13: {  	[smem:$0x3FAE] =	sst s0;
	s0 =	simm.s32 @!p1 $0x0  }
0x14: {  	s2 =	sld [smem:$0x3F92];
	s0 =	simm.s32 @p1 $0x1  }
0x15: {  	[smem:$0x3FAF] =	sst s0;
	s0 =	simm.s32 @!p2 $0x0  }
0x16: {  	s3 =	sld [smem:$0x3FDB];
	s0 =	simm.s32 @p2 $0x1  }
0x17: {  	s4 =	simm.s32 $0x1BF5;
	[smem:$0x3FB1] =	sst s0  }
0x18: {  	s0 =	sld [smem:$0x3F94];
	_ =	swait.ge [sflag:s4], $0x0  }
0x19: {  	s7 =	sld [smem:$0x3F95]  }
0x1a: {  	s8 =	sadd.s32 $0xFFFFE003, lr  }
0x1b: {  	s9 =	sadd.s32 $0xFFFFFEF7, lr;
	s5 =	simm.s32 $0xFFFFFFFF;
	p2 =	slt.u32 s8, $0xFFFFF086  }
0x1c: {  	p1 =	slt.u32 s9, $0xF7A;
	s5 =	simm.s32 @!p2 $0x0  }
0x1d: {  	s5 =	simm.s32 @p1 $0x1;
	p0 =	seq.s32 s7, s2  }
0x1e: {  	s7 =	smul.u32 @!p0 $0xF7A, s2;
	p2 =	seq.s32 @!p0 s5, $0x0  }
0x1f: {  	s9 =	smul.u32 $0xF7A, s1;
	s8 =	simm.s32 @!p0 $0x1BF5;
	p2 =	por !p2, p0  }
0x20: {  	[sflag:s8] =	ssyncset.s32 @!p0 $0xFFFFF086;
	s6 =	sadd.s32 @!p0 s3, s7;
	s7 =	simm.s32 @!p0 $0x108  }
0x21: {  	s3 =	sadd.s32 s3, s9;
	s6 =	sadd.s32 @!p0 $0x88, s6;
	s7 =	simm.s32 @p2 $0x1082  }
0x22: {  	[simem:s7], [sflag:s8] =	dma.local @!p0 [hbm:s6], $0xF7A  }
0x23: {  	s9 =	sor.u32 $0xD0000000, s2;
	s6 =	simm.s32 $0x108;
	_ =	swait.ge @!p0 [sflag:s8], $0x0  }
0x24: {  	s3 =	sadd.s32 $0x88, s3;
	s6 =	simm.s32 @!p1 $0x1082;
	[sflag:s4] =	ssyncset.s32 $0xFFFFF086  }
0x25: {  	[simem:s6], [sflag:s4] =	dma.local [hbm:s3], $0xF7A  }
0x26: {  	[smem:$0x3F95] =	sst s1;
	(tag) =	ssettag s2;
	_ =	strace s9  }
0x27: {  	s1 =	sld [smem:$0x3FA5]  }
0x28: {  	s2 =	sld [smem:$0x3FA6]  }
0x29: {  	s4 =	sld [smem:$0x3FA8]  }
0x2a: {  	p0 =	seq.s32 s5, $0x0;
	s5 =	sld [smem:$0x3FA9]  }
0x2b: {  	s6 =	sld [smem:$0x3FAA]  }
0x2c: {  	s7 =	sld [smem:$0x3FAB]  }
0x2d: {  	s3 =	simm.s32 $0x108;
	s8 =	sld [smem:$0x3FAC]  }
0x2e: {  	s3 =	simm.s32 @!p0 $0x1082;
	s9 =	sld [smem:$0x3FAD]  }
0x2f: {  	lr =	sadd.s32 s0, s3;
	s0 =	sld [smem:$0x3FA4]  }
0x30: {  	s3 =	sld [smem:$0x3FA7]  }
0x31: {  	[smem:$0x3FB0] =	sst s10  }
0x32: {  	s10 =	sld [smem:$0x3FAE];
	_ =	sdelay $0x3  }
0x33: {  	p0 =	seq.s32 s10, $0x1;
	s10 =	sld [smem:$0x3FB0];
	_ =	sdelay $0x3  }
0x34: {  	[smem:$0x3FB0] =	sst s10  }
0x35: {  	s10 =	sld [smem:$0x3FAF];
	_ =	sdelay $0x3  }
0x36: {  	p1 =	seq.s32 s10, $0x1;
	s10 =	sld [smem:$0x3FB0];
	_ =	sdelay $0x3  }
0x37: {  	[smem:$0x3FB0] =	sst s10  }
0x38: {  	s10 =	sld [smem:$0x3FB1]  }
0x39: {  	_ = 	snop;
	(pc) =	sbr.ind lr, $3  }
0x3a: {  	_ = 	snop  }
0x3b: {  	_ = 	snop  }
0x3c: {  	p2 =	seq.s32 s10, $0x1;
	s10 =	sld [smem:$0x3FB0]  }
0x3d: {  	_ =	shalt  }
0x3e: {  	_ =	shalt  }
0x3f: {  	_ =	shalt  }
0x40: {  	_ =	shalt  }
0x41: {  	_ =	shalt  }
0x42: {  	_ =	shalt  }
0x43: {  	_ =	shalt  }
0x44: {  	_ =	shalt  }
0x45: {  	_ =	shalt  }
0x46: {  	_ =	shalt  }
0x47: {  	_ =	shalt  }
0x48: {  	_ =	shalt  }
0x49: {  	_ =	shalt  }
0x4a: {  	_ =	shalt  }
0x4b: {  	_ =	shalt  }
0x4c: {  	_ =	shalt  }
0x4d: {  	_ =	shalt  }
0x4e: {  	_ =	shalt  }
0x4f: {  	_ =	shalt  }
0x50: {  	_ =	shalt  }
0x51: {  	_ =	shalt  }
0x52: {  	_ =	shalt  }
0x53: {  	_ =	shalt  }
0x54: {  	_ =	shalt  }
0x55: {  	_ =	shalt  }
0x56: {  	_ =	shalt  }
0x57: {  	_ =	shalt  }
0x58: {  	_ =	shalt  }
0x59: {  	_ =	shalt  }
0x5a: {  	_ =	shalt  }
0x5b: {  	_ =	shalt  }
0x5c: {  	_ =	shalt  }
0x5d: {  	_ =	shalt  }
0x5e: {  	_ =	shalt  }
0x5f: {  	_ =	shalt  }
0x60: {  	_ =	shalt  }
0x61: {  	_ =	shalt  }
0x62: {  	_ =	shalt  }
0x63: {  	_ =	shalt  }
0x64: {  	_ =	shalt  }
0x65: {  	_ =	shalt  }
0x66: {  	_ =	shalt  }
0x67: {  	_ =	shalt  }
0x68: {  	_ =	shalt  }
0x69: {  	_ =	shalt  }
0x6a: {  	_ =	shalt  }
0x6b: {  	_ =	shalt  }
0x6c: {  	_ =	shalt  }
0x6d: {  	_ =	shalt  }
0x6e: {  	_ =	shalt  }
0x6f: {  	_ =	shalt  }
0x70: {  	_ =	shalt  }
0x71: {  	_ =	shalt  }
0x72: {  	_ =	shalt  }
0x73: {  	_ =	shalt  }
0x74: {  	_ =	shalt  }
0x75: {  	_ =	shalt  }
0x76: {  	_ =	shalt  }
0x77: {  	_ =	shalt  }
0x78: {  	_ =	shalt  }
0x79: {  	_ =	shalt  }
0x7a: {  	_ =	shalt  }
0x7b: {  	_ =	shalt  }
0x7c: {  	_ =	shalt  }
0x7d: {  	_ =	shalt  }
0x7e: {  	_ =	shalt  }
0x7f: {  	_ =	shalt  }
0x80: {  	_ =	shalt  }
0x81: {  	_ =	shalt  }
0x82: {  	_ =	shalt  }
0x83: {  	_ =	shalt  }
0x84: {  	_ =	shalt  }
0x85: {  	_ =	shalt  }
0x86: {  	_ =	shalt  }
0x87: {  	_ =	shalt  }
.Lfunc_end0:
.L_simem_size_0:
called_computation_lowered:
.L_overlay_start_0:
0x88: {  	s2 =	sld [smem:$0x3FD9]  }
0x89: {  	s3 =	sld [smem:$0x3FFE];
	_ =	sdelay $0x1  }
0x8a: {  	s1 =	srdreg.scid  }
0x8b: {  	s0 =	sand.u32 $0x1, s1  }
0x8c: {  	s14 =	sshll.u32 s0, $0xA;
	s2 =	sadd.s32 s3, s2  }
0x8d: {  	s2 =	sadd.s32 s2, s14  }
0x8e: {  	[smem:$0x3FBC] =	sst s2  }
0x8f: {  	_ = 	snop  }
0x90: {  	s2 =	sld [smem:$0x3FD0];
	_ =	sdelay $0x1  }
0x91: {  	s15 =	sld [smem:$0x3FC7]  }
0x92: {  	s5 =	simm.s32 $0xA;
	s6 =	simm.s32 $0x10;
	s4 =	sld [smem:$0x3FC6]  }
0x93: {  	[smem:s6], [sflag:s5] =	dma.local [hbm:s2], $0x1  }
0x94: {  	_ =	swait.eq [sflag:s5], $0x1  }
0x95: {  	[sflag:s5] =	ssyncset.done $0x0  }
0x96: {  	s16 =	sld [smem:$0x10];
	[sflag:s5] =	ssyncadd.s32 $0xFFFFFFFF  }
0x97: {  	s17 =	sld [smem:$0x11];
	(tm) =	ssettm $0x1  }
0x98: {  	s18 =	sld [smem:$0x3FFB];
	_ =	sdelay $0x3  }
0x99: {  	_ =	strace s18  }
0x9a: {  	s6 =	sld [smem:$0x3FFC];
	_ =	sdelay $0x3  }
0x9b: {  	_ =	strace s6  }
0x9c: {  	s6 =	sld [smem:$0x3FFD];
	_ =	sdelay $0x3  }
0x9d: {  	_ =	strace s6  }
0x9e: {  	_ =	strace $0x8FFFFFFF  }
0x9f: {  	s19 =	sld [smem:$0x3FDB];
	_ =	sdelay $0x1  }
0xa0: {  	s7 =	simm.s32 $_scs_section_size  }
0xa1: {  	s8 =	simm.s32 $_size__tile_overlayer_lowered;
	s9 =	simm.s32 $_tile_overlayer_lowered  }
0xa2: {  	s22 =	simm.s32 $0x1BFF;
	s21 =	sshll.u32 s9, $0x1;
	s6 =	sadd.s32 s7, s19  }
0xa3: {  	s10 =	simm.s32 $0x0;
	s20 =	sshll.u32 s8, $0x1;
	s8 =	sadd.s32 s21, s6  }
0xa4: {  	[timem:s10], [sflag:s22] =	dma.local [hbm:s8], s20  }
0xa5: {  	_ =	swait.ge [sflag:s22], s20  }
0xa6: {  	s7 =	ssub.s32 $0x0, s20;
	[sflag:s22] =	ssyncset.done $0x0  }
0xa7: {  	[sflag:s22] =	ssyncadd.s32 s7;
	_ =	sdelay $0x1  }
0xa8: {  	s23 =	simm.s32 $0x1B8B  }
0xa9: {  	_ =	swait.ge [sflag:s23], $0x1  }
0xaa: {  	[sflag:s23] =	ssyncset.done $0x0  }
0xab: {  	s25 =	simm.s32 $0x1B8E;
	s24 =	sld [smem:$0x3FFE];
	[sflag:s23] =	ssyncadd.s32 $0xFFFFFFFF  }
0xac: {  	s26 =	simm.s32 $execute0_lowered;
	[smem:$0x3FD2] =	sst s25  }
0xad: {  	s8 =	sshll.u32 s26, $0x1;
	_ =	strace $0x80000046;
	[dreg:$0x1] =	wrdreg $0xFFFFFFFF  }
0xae: {  	s28 =	simm.s32 $_size_execute0_lowered;
	s6 =	sadd.s32 s6, s8;
	[dreg:$0x0] =	wrdreg $0x0  }
0xaf: {  	s8 =	sshll.u32 s28, $0x1;
	[dreg:$0x2] =	wrdreg s6  }
0xb0: {  	[dreg:$0x3] =	wrdreg s8  }
0xb1: {  	[dreg:$0x4] =	wrdreg $0xC0  }
0xb2: {  	_ =	task [dreg:s10], $0x5FFFF  }
0xb3: {  	[dreg:$0x1] =	wrdreg $0xFFFFFFFF  }
0xb4: {  	[dreg:$0x0] =	wrdreg $0x60  }
0xb5: {  	[dreg:$0x2] =	wrdreg s16  }
0xb6: {  	[dreg:$0x3] =	wrdreg s17  }
0xb7: {  	[dreg:$0x4] =	wrdreg s4  }
0xb8: {  	[dreg:$0x5] =	wrdreg s15  }
0xb9: {  	[dreg:$0x6] =	wrdreg s24  }
0xba: {  	[dreg:$0x7] =	wrdreg $0x9  }
0xbb: {  	_ =	task.clear_ibuf [dreg:s10], $0x8FFFF;
	_ =	strace $0x90000046  }
0xbc: {  	s29 =	simm.s32 $0x9;
	_ =	strace $0x80000048  }
0xbd: {  	_ =	swait.ge [sflag:s29], $0x1  }
0xbe: {  	[sflag:s29] =	ssyncadd.s32 $0xFFFFFFFF  }
0xbf: {  	_ =	strace $0x90000048  }
0xc0: {  	_ =	sfence  }
0xc1: {  	s30 =	sld [smem:$0x0];
	_ =	sdelay $0x2  }
0xc2: {  	s31 =	sshll.u32 s1, $0xD;
	s1 =	sshrl.u32 s1, $0x2  }
0xc3: {  	s3 =	sand.u32 $0x4000, s31;
	s1 =	sadd.s32 s1, s30  }
0xc4: {  	s0 =	sor.u32 s3, s0;
	s1 =	sshll.u32 s1, $0x11  }
0xc5: {  	s0 =	sor.u32 s1, s0  }
0xc6: {  	s0 =	sadd.s32 $0x8F2B, s0  }
0xc7: {  	[sflag:s0] =	ssyncadd.remote.s32 $0x1  }
0xc8: {  	_ =	sfence.sel $0xFFFF  }
0xc9: {  	[dreg:$0x0] =	wrdreg $0xFFFFFFFF;
	(pc) =	sbr.abs _section_cstart, $3  }
0xca: {  	[dreg:$0x1] =	wrdreg $0xFFFFFFFF  }
0xcb: {  	_ =	task.clear_ibuf [dreg:s10], $0x2FFFF;
	_ =	strace $0x9FFFFFFF  }
0xcc: {  	(tm) =	ssettm $0x7FFFFFFF  }
0xcd: {  	_ =	shalt  }
tec
execute0_lowered:
.L_overlay_start_1:
0x0: {  	(tag) =	ssettag $0x1  }
0x1: {  	s0 =	rddreg [dreg:$0x0]  }
0x2: {  	s2 =	rddreg [dreg:$0x1]  }
0x3: {  	s3 =	rddreg [dreg:$0x2]  }
0x4: {  	s5 =	rddreg [dreg:$0x3];
	s4 =	srdreg.scid  }
0x5: {  	s1 =	stileid.u32;
	s7 =	rddreg [dreg:$0x4]  }
0x6: {  	s6 =	simm.s32 $0x0;
	s14 =	simm.s32 $0x80;
	s15 =	simm.s32 $0x200  }
0x7: {  	s16 =	simm.s32 $0x4200;
	s17 =	simm.s32 $0x1;
	s18 =	simm.s32 $0x10200  }
0x8: {  	s19 =	simm.s32 $0x2;
	s20 =	simm.s32 $0x14200;
	s21 =	simm.s32 $0x3  }
0x9: {  	s22 =	simm.s32 $0x4;
	s8 =	sand.u32 $0x1, s4;
	s4 =	rddreg [dreg:$0x5]  }
0xa: {  	s23 =	simm.s32 $0x0;
	s9 =	sshll.u32 s1, $0x1;
	[smem:$0x7FF] =	sst s6  }
0xb: {  	p0 =	slt.u32 s1, $0x2;
	s31 =	sshll.u32 s1, $0x5;
	s9 =	sor.u32 s8, s9  }
0xc: {  	s8 =	ssub.s32 $0x2, s8;
	_ =	strace $0x80000047;
	s10 =	sshll.u32 s9, $0xB  }
.Ltmp0:
0xd: {  	s30 =	sshrl.u32 s8, $0x1;
	s9 =	sshll.u32 s9, $0x4;
	(pc) =	sbr.rel .LBB2_1-.Ltmp0, $4  }
0xe: {  	s11 =	sadd.s32 s10, s7;
	s12 =	ssub.s32 s8, s30;
	s7 =	simm.s32 $0x4F  }
0xf: {  	s8 =	sadd.s32 s3, s9;
	s10 =	sand.u32 $0x180, s31;
	s13 =	sand.u32 $0x70, s9  }
0x10: {  	s9 =	sadd.s32 s5, s9;
	s7 =	simm.s32 @!p0 $0x4E;
	s10 =	sor.u32 s13, s10  }
0x11: {  	s11 =	sadd.s32 $0x2A00, s11;
	s12 =	smax.u32 s12, $0x1;
	s13 =	simm.s32 $0x5  }
.LBB2_11:
0x12: {  	s23 =	sadd.s32 $0x1, s23  }
0x13: {  	_ =	swait.ge [sflag:s21], $0x4000;
	p0 =	sne.s32 s23, s12  }
.Ltmp1:
0x14: {  	[sflag:s21] =	ssyncset.done $0x0;
	(pc) =	sbr.rel @!p0 .LBB2_12-.Ltmp1, $4  }
0x15: {  	[sflag:s21] =	ssyncadd.s32 $0xFFFFC000  }
0x16: {  	_ =	swait.ge [sflag:s22], $0x4000  }
0x17: {  	[sflag:s22] =	ssyncset.done $0x0  }
0x18: {  	[sflag:s22] =	ssyncadd.s32 $0xFFFFC000  }
.LBB2_1:
0x19: {  	[tilespmem:s6], [sflag:$0x5] =	stream.linear.gather [hbm4b:s8+s6], $0x80, $0x38;
	[tilespmem:$0x18200] =	vst v63  }
0x1a: {  	_ =	swait.ge [sflag:s13], $0x80  }
0x1b: {  	[sflag:s13] =	ssyncset.done $0x0  }
0x1c: {  	[sflag:s13] =	ssyncadd.s32 $0xFFFFFF80  }
0x1d: {  	[tilespmem:s14], [sflag:$0x5] =	stream.linear.gather [hbm4b:s9+s6], $0x80, $0x38;
	[tilespmem:$0x18200] =	vst v63  }
0x1e: {  	_ =	swait.ge [sflag:s13], $0x80  }
.Ltmp2:
0x1f: {  	[sflag:s13] =	ssyncset.done $0x0;
	(pc) =	sbr.rel .LBB2_2-.Ltmp2, $4  }
0x20: {  	[sflag:s13] =	ssyncadd.s32 $0xFFFFFF80  }
0x21: {  	[tilespmem:s15], [sflag:$0x1] =	stream.indirect.gather [hbm4b:s0+s14], $0x80, s6, s14, $0xb8;
	[tilespmem:$0x18200] =	vst v63  }
0x22: {  	s24 =	simm.s32 $0x0  }
0x23: {  	[tilespmem:s16], [sflag:$0x1] =	stream.indirect.gather [hbm4b:s2+s14], $0x80, s14, s14, $0xb8;
	[tilespmem:$0x18200] =	vst v63  }
.LBB2_10:
0x24: {  	s24 =	sadd.s32 $0x1, s24  }
0x25: {  	p0 =	sne.s32 s24, $0x28  }
.Ltmp3:
0x26: {  	_ = 	snop;
	(pc) =	sbr.rel @!p0 .LBB2_11-.Ltmp3, $1  }
0x27: {  	_ =	sdelay $0x3  }
.LBB2_2:
0x28: {  	s25 =	sshllo.u32 s24, $0x1  }
0x29: {  	p0 =	sge.u32 s25, s7  }
0x2a: {  	s26 =	sshll.u32 @!p0 s25, $0x9  }
0x2b: {  	s26 =	sor.u32 @!p0 s10, s26  }
0x2c: {  	s29 =	simm.s32 @!p0 $0x0;
	s30 =	simm.s32 @!p0 $0x100;
	s28 =	sadd.s32 @!p0 s3, s26  }
0x2d: {  	[tilespmem:s30], [sflag:$0x5] =	stream.linear.gather @!p0 [hbm4b:s28+s29], $0x80, $0x38;
	[tilespmem:$0x18200] =	vst v63  }
0x2e: {  	s28 =	simm.s32 @!p0 $0x5  }
0x2f: {  	_ =	swait.ge @!p0 [sflag:s28], $0x80  }
0x30: {  	[sflag:s28] =	ssyncset.done @!p0 $0x0  }
0x31: {  	s31 =	simm.s32 @!p0 $0x180;
	s26 =	sadd.s32 @!p0 s5, s26;
	[sflag:s28] =	ssyncadd.s32 @!p0 $0xFFFFFF80  }
0x32: {  	[tilespmem:s31], [sflag:$0x5] =	stream.linear.gather @!p0 [hbm4b:s26+s29], $0x80, $0x38;
	[tilespmem:$0x18200] =	vst v63  }
0x33: {  	_ =	swait.ge @!p0 [sflag:s28], $0x80  }
0x34: {  	[sflag:s28] =	ssyncset.done @!p0 $0x0  }
0x35: {  	s26 =	simm.s32 @!p0 $0x8200;
	[sflag:s28] =	ssyncadd.s32 @!p0 $0xFFFFFF80;
	s28 =	simm.s32 @!p0 $0x80  }
0x36: {  	[tilespmem:s26], [sflag:$0x2] =	stream.indirect.gather @!p0 [hbm4b:s0+s28], $0x80, s30, s28, $0xb8;
	[tilespmem:$0x18200] =	vst v63  }
0x37: {  	s26 =	sshll.u32 s24, $0x1  }
0x38: {  	p1 =	sge.u32 s26, s7  }
.Ltmp4:
0x39: {  	_ = 	snop;
	(pc) =	sbr.rel @p1 .LBB2_6-.Ltmp4, $3  }
0x3a: {  	_ =	sdelay $0x1  }
0x3b: {  	s29 =	simm.s32 @!p0 $0xC200  }
0x3c: {  	[tilespmem:s29], [sflag:$0x2] =	stream.indirect.gather @!p0 [hbm4b:s2+s28], $0x80, s31, s28, $0xb8;
	[tilespmem:$0x18200] =	vst v63  }
0x3d: {  	_ =	swait.ge [sflag:s17], $0x4000  }
0x3e: {  	[sflag:s17] =	ssyncset.done $0x0  }
0x3f: {  	[sflag:s17] =	ssyncadd.s32 $0xFFFFC000  }
0x40: {  	_ =	swait.ge [sflag:s17], $0x4000  }
0x41: {  	p1 =	seq.s32 s24, $0x0;
	[sflag:s17] =	ssyncset.done $0x0  }
0x42: {  	s28 =	simm.s32 @!p1 $0x3;
	[sflag:s17] =	ssyncadd.s32 $0xFFFFC000  }
0x43: {  	_ =	swait.ge @!p1 [sflag:s28], $0x4000  }
0x44: {  	[sflag:s28] =	ssyncset.done @!p1 $0x0  }
0x45: {  	[sflag:s28] =	ssyncadd.s32 @!p1 $0xFFFFC000;
	s28 =	simm.s32 $0x0  }
0x46: {  	v0 =	vld [tilespmem:s28+$0x270]  }
0x47: {  	v1 =	vld [tilespmem:s28+$0x4270]  }
0x48: {  	v2 =	vld [tilespmem:s28+$0x200]  }
0x49: {  	v3 =	vld [tilespmem:s28+$0x4200]  }
0x4a: {  	v4 =	vld [tilespmem:s28+$0x210]  }
0x4b: {  	v5 =	vld [tilespmem:s28+$0x4210]  }
0x4c: {  	v6 =	vld [tilespmem:s28+$0x220]  }
0x4d: {  	v7 =	vld [tilespmem:s28+$0x230]  }
0x4e: {  	v0 =	vadd.f32 v1, v0;
	v1 =	vld [tilespmem:s28+$0x4220]  }
0x4f: {  	v8 =	vld [tilespmem:s28+$0x4230]  }
0x50: {  	v9 =	vld [tilespmem:s28+$0x4240];
	v2 =	vadd.f32 v3, v2  }
0x51: {  	[tilespmem:s28+$0x10270] =	vst v0;
	v0 =	vadd.f32 v5, v4;
	v5 =	vld [tilespmem:s28+$0x240]  }
0x52: {  	v3 =	vld [tilespmem:s28+$0x4250];
	[tilespmem:s28+$0x10200] =	vst v2  }
0x53: {  	v2 =	vld [tilespmem:s28+$0x250];
	[tilespmem:s28+$0x10210] =	vst v0;
	v0 =	vadd.f32 v1, v6  }
0x54: {  	v4 =	vld [tilespmem:s28+$0x4260];
	v6 =	vadd.f32 v8, v7  }
0x55: {  	s29 =	simm.s32 $0x80;
	[tilespmem:s28+$0x10220] =	vst v0;
	v0 =	vld [tilespmem:s28+$0x260]  }
0x56: {  	s30 =	simm.s32 $0x400;
	v5 =	vadd.f32 v9, v5;
	v1 =	vld [tilespmem:s29+$0x270];
	[tilespmem:s28+$0x10230] =	vst v6  }
.LBB2_4:
0x57: {  	p1 =	sne.s32 s30, $0xFE00;
	v6 =	vld [tilespmem:s29+$0x4270]  }
0x58: {  	v7 =	vld [tilespmem:s29+$0x200];
	[tilespmem:s28+$0x10240] =	vst v5;
	v2 =	vadd.f32 v3, v2  }
0x59: {  	v3 =	vld [tilespmem:s29+$0x4200]  }
0x5a: {  	v5 =	vld [tilespmem:s29+$0x210];
	[tilespmem:s28+$0x10250] =	vst v2;
	v0 =	vadd.f32 v4, v0  }
0x5b: {  	v2 =	vld [tilespmem:s29+$0x4210]  }
0x5c: {  	v4 =	vld [tilespmem:s29+$0x220];
	v1 =	vadd.f32 v6, v1;
	[tilespmem:s28+$0x10260] =	vst v0;
	s28 =	smov.u32 s29  }
0x5d: {  	v0 =	vld [tilespmem:s28+$0x4220]  }
0x5e: {  	v3 =	vadd.f32 v3, v7;
	v6 =	vld [tilespmem:s28+$0x230];
	[tilespmem:s28+$0x10270] =	vst v1  }
0x5f: {  	v1 =	vld [tilespmem:s28+$0x4230]  }
0x60: {  	[tilespmem:s28+$0x10200] =	vst v3;
	v2 =	vadd.f32 v2, v5;
	v5 =	vld [tilespmem:s28+$0x240]  }
0x61: {  	v7 =	vld [tilespmem:s28+$0x4240]  }
.Ltmp5:
0x62: {  	[tilespmem:s28+$0x10210] =	vst v2;
	v0 =	vadd.f32 v0, v4;
	v2 =	vld [tilespmem:s28+$0x250];
	(pc) =	sbr.rel @p1 .LBB2_4-.Ltmp5, $4  }
0x63: {  	v3 =	vld [tilespmem:s28+$0x4250]  }
0x64: {  	[tilespmem:s28+$0x10220] =	vst v0;
	v6 =	vadd.f32 v1, v6;
	v0 =	vld [tilespmem:s28+$0x260]  }
0x65: {  	s29 =	sshra.s32 s30, $0x2;
	v4 =	vld [tilespmem:s28+$0x4260]  }
0x66: {  	s30 =	sadd.s32 $0x200, s30;
	v1 =	vld [tilespmem:s29+$0x270];
	[tilespmem:s28+$0x10230] =	vst v6;
	v5 =	vadd.f32 v7, v5  }
0x67: {  	v6 =	vld [tilespmem:s29+$0x4270]  }
0x68: {  	v7 =	vld [tilespmem:s29+$0x200];
	[tilespmem:s28+$0x10240] =	vst v5;
	v2 =	vadd.f32 v3, v2  }
0x69: {  	v51 =	vld [tilespmem:s29+$0x4200]  }
0x6a: {  	v5 =	vld [tilespmem:s29+$0x210];
	[tilespmem:s28+$0x10250] =	vst v2;
	v0 =	vadd.f32 v4, v0  }
0x6b: {  	v2 =	vld [tilespmem:s29+$0x4210]  }
0x6c: {  	v52 =	vld [tilespmem:s29+$0x220];
	[tilespmem:s28+$0x10260] =	vst v0  }
0x6d: {  	v54 =	vld [tilespmem:s29+$0x4220]  }
0x6e: {  	v55 =	vld [tilespmem:s29+$0x230]  }
0x6f: {  	v56 =	vld [tilespmem:s29+$0x4230]  }
0x70: {  	v57 =	vld [tilespmem:s29+$0x240]  }
0x71: {  	v58 =	vld [tilespmem:s29+$0x4240]  }
0x72: {  	v59 =	vld [tilespmem:s29+$0x250]  }
0x73: {  	v53 =	vadd.f32 v6, v1;
	v60 =	vld [tilespmem:s29+$0x4250]  }
0x74: {  	v61 =	vld [tilespmem:s29+$0x260];
	v3 =	vadd.f32 v51, v7  }
0x75: {  	v62 =	vld [tilespmem:s29+$0x4260];
	[tilespmem:s29+$0x10270] =	vst v53;
	v2 =	vadd.f32 v2, v5  }
0x76: {  	[tilespmem:s29+$0x10200] =	vst v3;
	v1 =	vadd.f32 v54, v52  }
0x77: {  	[tilespmem:s29+$0x10210] =	vst v2;
	v0 =	vadd.f32 v56, v55  }
0x78: {  	v3 =	vadd.f32 v58, v57;
	[tilespmem:s29+$0x10220] =	vst v1  }
0x79: {  	v63 =	vadd.f32 v60, v59;
	[tilespmem:s29+$0x10230] =	vst v0  }
0x7a: {  	[tilespmem:s29+$0x10240] =	vst v3;
	v1 =	vadd.f32 v62, v61  }
0x7b: {  	s31 =	sshll.u32 s24, $0x11;
	[tilespmem:s29+$0x10250] =	vst v63  }
0x7c: {  	s28 =	sadd.s32 s31, s11;
	[tilespmem:s29+$0x10260] =	vst v1  }
0x7d: {  	[hbm4b:s28+s6] =	stream.linear.scatter [tilespmem:s18], [sflag:$0x3], $0x4000, $0x38;
	[tilespmem:$0x18200] =	vst v63  }
.LBB2_6:
0x7e: {  	s26 =	sadd.s32 $0x2, s26  }
0x7f: {  	p1 =	sge.u32 s26, s7  }
0x80: {  	s26 =	sshll.u32 @!p1 s26, $0x9  }
0x81: {  	s26 =	sor.u32 @!p1 s10, s26  }
0x82: {  	s29 =	simm.s32 @!p1 $0x0;
	s28 =	sadd.s32 @!p1 s3, s26  }
0x83: {  	[tilespmem:s29], [sflag:$0x5] =	stream.linear.gather @!p1 [hbm4b:s28+s29], $0x80, $0x38;
	[tilespmem:$0x18200] =	vst v63  }
0x84: {  	s28 =	simm.s32 @!p1 $0x5  }
0x85: {  	_ =	swait.ge @!p1 [sflag:s28], $0x80  }
0x86: {  	[sflag:s28] =	ssyncset.done @!p1 $0x0  }
0x87: {  	s30 =	simm.s32 @!p1 $0x80;
	s26 =	sadd.s32 @!p1 s5, s26;
	[sflag:s28] =	ssyncadd.s32 @!p1 $0xFFFFFF80  }
0x88: {  	[tilespmem:s30], [sflag:$0x5] =	stream.linear.gather @!p1 [hbm4b:s26+s29], $0x80, $0x38;
	[tilespmem:$0x18200] =	vst v63  }
0x89: {  	_ =	swait.ge @!p1 [sflag:s28], $0x80  }
.Ltmp6:
0x8a: {  	[sflag:s28] =	ssyncset.done @!p1 $0x0;
	(pc) =	sbr.rel @p0 .LBB2_10-.Ltmp6, $4  }
0x8b: {  	s26 =	simm.s32 @!p1 $0x200;
	[sflag:s28] =	ssyncadd.s32 @!p1 $0xFFFFFF80  }
0x8c: {  	[tilespmem:s26], [sflag:$0x1] =	stream.indirect.gather @!p1 [hbm4b:s0+s30], $0x80, s29, s30, $0xb8;
	[tilespmem:$0x18200] =	vst v63  }
0x8d: {  	s26 =	simm.s32 @!p1 $0x4200  }
0x8e: {  	[tilespmem:s26], [sflag:$0x1] =	stream.indirect.gather @!p1 [hbm4b:s2+s30], $0x80, s30, s30, $0xb8;
	[tilespmem:$0x18200] =	vst v63  }
0x8f: {  	_ =	swait.ge [sflag:s19], $0x4000  }
0x90: {  	[sflag:s19] =	ssyncset.done $0x0  }
0x91: {  	[sflag:s19] =	ssyncadd.s32 $0xFFFFC000  }
0x92: {  	_ =	swait.ge [sflag:s19], $0x4000  }
0x93: {  	p0 =	seq.s32 s24, $0x0;
	[sflag:s19] =	ssyncset.done $0x0  }
0x94: {  	s26 =	simm.s32 @!p0 $0x4;
	[sflag:s19] =	ssyncadd.s32 $0xFFFFC000  }
0x95: {  	_ =	swait.ge @!p0 [sflag:s26], $0x4000  }
0x96: {  	[sflag:s26] =	ssyncset.done @!p0 $0x0  }
0x97: {  	[sflag:s26] =	ssyncadd.s32 @!p0 $0xFFFFC000;
	s26 =	simm.s32 $0x0  }
0x98: {  	v0 =	vld [tilespmem:s26+$0x8270]  }
0x99: {  	v1 =	vld [tilespmem:s26+$0xC270]  }
0x9a: {  	v2 =	vld [tilespmem:s26+$0x8200]  }
0x9b: {  	v3 =	vld [tilespmem:s26+$0xC200]  }
0x9c: {  	v4 =	vld [tilespmem:s26+$0x8210]  }
0x9d: {  	v5 =	vld [tilespmem:s26+$0xC210]  }
0x9e: {  	v6 =	vld [tilespmem:s26+$0x8220]  }
0x9f: {  	v7 =	vld [tilespmem:s26+$0x8230]  }
0xa0: {  	v0 =	vadd.f32 v1, v0;
	v1 =	vld [tilespmem:s26+$0xC220]  }
0xa1: {  	v8 =	vld [tilespmem:s26+$0xC230]  }
0xa2: {  	v9 =	vld [tilespmem:s26+$0xC240];
	v2 =	vadd.f32 v3, v2  }
0xa3: {  	[tilespmem:s26+$0x14270] =	vst v0;
	v0 =	vadd.f32 v5, v4;
	v5 =	vld [tilespmem:s26+$0x8240]  }
0xa4: {  	v3 =	vld [tilespmem:s26+$0xC250];
	[tilespmem:s26+$0x14200] =	vst v2  }
0xa5: {  	v2 =	vld [tilespmem:s26+$0x8250];
	[tilespmem:s26+$0x14210] =	vst v0;
	v0 =	vadd.f32 v1, v6  }
0xa6: {  	v4 =	vld [tilespmem:s26+$0xC260];
	v6 =	vadd.f32 v8, v7  }
0xa7: {  	s28 =	simm.s32 $0x80;
	[tilespmem:s26+$0x14220] =	vst v0;
	v0 =	vld [tilespmem:s26+$0x8260]  }
0xa8: {  	s29 =	simm.s32 $0x400;
	v5 =	vadd.f32 v9, v5;
	v1 =	vld [tilespmem:s28+$0x8270];
	[tilespmem:s26+$0x14230] =	vst v6  }
.LBB2_8:
0xa9: {  	p0 =	sne.s32 s29, $0xFE00;
	v6 =	vld [tilespmem:s28+$0xC270]  }
0xaa: {  	v7 =	vld [tilespmem:s28+$0x8200];
	[tilespmem:s26+$0x14240] =	vst v5;
	v2 =	vadd.f32 v3, v2  }
0xab: {  	v3 =	vld [tilespmem:s28+$0xC200]  }
0xac: {  	v5 =	vld [tilespmem:s28+$0x8210];
	[tilespmem:s26+$0x14250] =	vst v2;
	v0 =	vadd.f32 v4, v0  }
0xad: {  	v2 =	vld [tilespmem:s28+$0xC210]  }
0xae: {  	v4 =	vld [tilespmem:s28+$0x8220];
	v1 =	vadd.f32 v6, v1;
	[tilespmem:s26+$0x14260] =	vst v0;
	s26 =	smov.u32 s28  }
0xaf: {  	v0 =	vld [tilespmem:s26+$0xC220]  }
0xb0: {  	v3 =	vadd.f32 v3, v7;
	v6 =	vld [tilespmem:s26+$0x8230];
	[tilespmem:s26+$0x14270] =	vst v1  }
0xb1: {  	v1 =	vld [tilespmem:s26+$0xC230]  }
0xb2: {  	[tilespmem:s26+$0x14200] =	vst v3;
	v2 =	vadd.f32 v2, v5;
	v5 =	vld [tilespmem:s26+$0x8240]  }
0xb3: {  	v7 =	vld [tilespmem:s26+$0xC240]  }
.Ltmp7:
0xb4: {  	[tilespmem:s26+$0x14210] =	vst v2;
	v0 =	vadd.f32 v0, v4;
	v2 =	vld [tilespmem:s26+$0x8250];
	(pc) =	sbr.rel @p0 .LBB2_8-.Ltmp7, $4  }
0xb5: {  	v3 =	vld [tilespmem:s26+$0xC250]  }
0xb6: {  	[tilespmem:s26+$0x14220] =	vst v0;
	v6 =	vadd.f32 v1, v6;
	v0 =	vld [tilespmem:s26+$0x8260]  }
0xb7: {  	s28 =	sshra.s32 s29, $0x2;
	v4 =	vld [tilespmem:s26+$0xC260]  }
0xb8: {  	s29 =	sadd.s32 $0x200, s29;
	v1 =	vld [tilespmem:s28+$0x8270];
	[tilespmem:s26+$0x14230] =	vst v6;
	v5 =	vadd.f32 v7, v5  }
0xb9: {  	v6 =	vld [tilespmem:s28+$0xC270]  }
0xba: {  	v7 =	vld [tilespmem:s28+$0x8200];
	[tilespmem:s26+$0x14240] =	vst v5;
	v2 =	vadd.f32 v3, v2  }
0xbb: {  	v51 =	vld [tilespmem:s28+$0xC200]  }
0xbc: {  	v5 =	vld [tilespmem:s28+$0x8210];
	[tilespmem:s26+$0x14250] =	vst v2;
	v0 =	vadd.f32 v4, v0  }
0xbd: {  	v2 =	vld [tilespmem:s28+$0xC210]  }
0xbe: {  	v52 =	vld [tilespmem:s28+$0x8220];
	[tilespmem:s26+$0x14260] =	vst v0  }
0xbf: {  	v54 =	vld [tilespmem:s28+$0xC220]  }
0xc0: {  	v55 =	vld [tilespmem:s28+$0x8230]  }
0xc1: {  	v56 =	vld [tilespmem:s28+$0xC230]  }
0xc2: {  	v57 =	vld [tilespmem:s28+$0x8240]  }
0xc3: {  	v58 =	vld [tilespmem:s28+$0xC240]  }
0xc4: {  	v59 =	vld [tilespmem:s28+$0x8250]  }
0xc5: {  	v53 =	vadd.f32 v6, v1;
	v60 =	vld [tilespmem:s28+$0xC250]  }
0xc6: {  	v61 =	vld [tilespmem:s28+$0x8260];
	v3 =	vadd.f32 v51, v7  }
0xc7: {  	v62 =	vld [tilespmem:s28+$0xC260];
	[tilespmem:s28+$0x14270] =	vst v53;
	v2 =	vadd.f32 v2, v5  }
0xc8: {  	[tilespmem:s28+$0x14200] =	vst v3;
	v1 =	vadd.f32 v54, v52  }
0xc9: {  	[tilespmem:s28+$0x14210] =	vst v2;
	v0 =	vadd.f32 v56, v55  }
0xca: {  	v3 =	vadd.f32 v58, v57;
	[tilespmem:s28+$0x14220] =	vst v1  }
.Ltmp8:
0xcb: {  	v63 =	vadd.f32 v60, v59;
	[tilespmem:s28+$0x14230] =	vst v0;
	(pc) =	sbr.rel .LBB2_10-.Ltmp8, $4  }
0xcc: {  	[tilespmem:s28+$0x14240] =	vst v3;
	v1 =	vadd.f32 v62, v61  }
0xcd: {  	s25 =	sshll.u32 s25, $0x10;
	[tilespmem:s28+$0x14250] =	vst v63  }
0xce: {  	s25 =	sadd.s32 s25, s11;
	[tilespmem:s28+$0x14260] =	vst v1  }
0xcf: {  	[hbm4b:s25+s6] =	stream.linear.scatter [tilespmem:s20], [sflag:$0x4], $0x4000, $0x38;
	[tilespmem:$0x18200] =	vst v63  }
.LBB2_12:
0xd0: {  	_ =	sfence.sel $0x180000  }
0xd1: {  	[bflag:$0x0] =	sbarrier.arrive $0xFFFF  }
0xd2: {  	p0 =	sne.s32 s1, $0x0;
	_ =	strace $0x90000047  }
0xd3: {  	s0 =	sadd.s32 @!p0 $0x100000, s4;
	[bflag:$0x2] =	sbarrier.arrive $0xFFFF  }
0xd4: {  	[sflag:s0] =	ssyncadd.tile.s32 @!p0 $0x1;
	_ =	shalt  }
.Lfunc_end2:
_tile_overlayer_lowered:
.L_overlay_start_2:
0xd5: {  	(tag) =	ssettag $0x2  }
0xd6: {  	s0 =	rddreg [dreg:$0x0];
	s2 =	stileid.u32  }
0xd7: {  	s1 =	rddreg [dreg:$0x1];
	p0 =	sne.s32 s2, $0x0  }
0xd8: {  	s3 =	rddreg [dreg:$0x2];
	[bflag:$0x3] =	sbarrier.arrive $0xFFFF;
	s2 =	simm.s32 @!p0 $0x1C05  }
0xd9: {  	[timem:s3], [sflag:s2] =	dma.local @!p0 [hbm:s0], s1  }
0xda: {  	s0 =	simm.s32 @!p0 $0x5  }
0xdb: {  	_ =	swait.ge @!p0 [sflag:s0], s1  }
0xdc: {  	s1 =	ssub.s32 @!p0 $0x0, s1;
	[sflag:s0] =	ssyncset.done @!p0 $0x0  }
0xdd: {  	[sflag:s0] =	ssyncadd.s32 @!p0 s1  }
0xde: {  	[bflag:$0x3] =	sbarrier.arrive $0xFFFF  }
0xdf: {  	_ =	shalt  }

</sc_bundles>
